<compile_context>
chip_gen: v7x
topology: tpu7x:2x2x1
jax: 0.10.2.dev20260603
libtpu: 0.0.44.dev20260713+nightly
codegen_flags: <defaults>
</compile_context>

<pallas_src>
import jax
import jax.numpy as jnp
from jax import lax
from jax.experimental import pallas as pl
from jax.experimental.pallas import tpu as pltpu
from jax.experimental.pallas import tpu_sc as plsc

N = 10000
E = 320000
D = 128
ED = 16
H = 64

NC = 2
NS = 16
NW = NC * NS
EPW = E // NW
CH = 80
NCH = EPW // CH
ROWS_PER_TILE = N // NS

_f32 = jnp.float32


def _blockdiag(w):
    z = jnp.zeros_like(w)
    return jnp.concatenate(
        [jnp.concatenate([w, z], axis=1), jnp.concatenate([z, w], axis=1)],
        axis=0)



def _xw_body(x2_ref, w_ref, o_ref):
    o_ref[...] = jnp.dot(x2_ref[...], w_ref[...], preferred_element_type=_f32)


def _xn_body(x2_ref, w_ref, b_ref, o_ref):
    o_ref[...] = jnp.dot(x2_ref[...], w_ref[...],
                         preferred_element_type=_f32) + b_ref[...]


def _edge_body(g8_ref, ea8_ref, w1b2_ref, b12_ref, w2d_ref, b22_ref, o_ref):
    g8 = g8_ref[...]
    ea8 = ea8_ref[...]
    outs = []
    for q in range(4):
        pre = (g8[:, q * 128:(q + 1) * 128]
               + jnp.dot(ea8[:, q * 32:(q + 1) * 32], w1b2_ref[...],
                         preferred_element_type=_f32)
               + b12_ref[...])
        h = jnp.maximum(pre, 0.0)
        outs.append(jnp.maximum(
            jnp.dot(h, w2d_ref[...], preferred_element_type=_f32)
            + b22_ref[...], 0.0))
    o_ref[...] = jnp.concatenate(outs, axis=1)


def _node_body(x2_ref, xn2_ref, v0_ref, v1_ref, wnb2_ref, gm2_ref, bt2_ref,
               o_ref):
    agg2 = v0_ref[...] + v1_ref[...]
    out = xn2_ref[...] + jnp.dot(agg2, wnb2_ref[...],
                                 preferred_element_type=_f32)
    out = jnp.maximum(out, 0.0) + x2_ref[...]
    o_l = out[:, :D]
    o_r = out[:, D:]
    mu_l = jnp.mean(o_l, axis=-1, keepdims=True)
    mu_r = jnp.mean(o_r, axis=-1, keepdims=True)
    var_l = jnp.mean((o_l - mu_l) ** 2, axis=-1, keepdims=True)
    var_r = jnp.mean((o_r - mu_r) ** 2, axis=-1, keepdims=True)
    n_l = (o_l - mu_l) / jnp.sqrt(var_l + 1e-5)
    n_r = (o_r - mu_r) / jnp.sqrt(var_r + 1e-5)
    nrm = jnp.concatenate([n_l, n_r], axis=1)
    o_ref[...] = nrm * gm2_ref[...] + bt2_ref[...]



def _gather_body(xw_hbm, j_hbm, g_hbm, idx_v, rows0, rows1, sem0, sem1):
    wid = lax.axis_index("s") * NC + lax.axis_index("c")
    base = wid * EPW
    pltpu.sync_copy(j_hbm.at[wid], idx_v)
    rows = (rows0, rows1)
    sems = (sem0, sem1)
    for b in range(2):
        pltpu.async_copy(xw_hbm.at[idx_v.at[b]], rows[b], sems[b])

    def body(it, carry):
        for b in range(2):
            ch = it * 2 + b

            @pl.when(ch < NCH)
            def _():
                pltpu.make_async_copy(xw_hbm.at[idx_v.at[ch]], rows[b],
                                      sems[b]).wait()
                pltpu.sync_copy(rows[b], g_hbm.at[pl.ds(base + ch * CH, CH)])

                @pl.when(ch + 2 < NCH)
                def _():
                    pltpu.async_copy(xw_hbm.at[idx_v.at[ch + 2]], rows[b],
                                     sems[b])
        return carry

    lax.fori_loop(0, (NCH + 1) // 2, body, 0)


def _scatter_body(eh_hbm, i_hbm, part_hbm, shared, idx_v, rows0, rows1, zbuf,
                  sem0, sem1):
    cid = lax.axis_index("c")
    sid = lax.axis_index("s")
    wid = sid * NC + cid
    base = wid * EPW
    pltpu.sync_copy(i_hbm.at[wid], idx_v)

    zero16 = jnp.zeros((16,), _f32)

    def zbody(r, carry):
        for q in range(H // 16):
            zbuf[r, pl.ds(q * 16, 16)] = zero16
        return carry

    lax.fori_loop(0, ROWS_PER_TILE, zbody, 0)
    pltpu.sync_copy(zbuf, shared.at[pl.ds(sid * ROWS_PER_TILE, ROWS_PER_TILE)])
    plsc.subcore_barrier()

    rows = (rows0, rows1)
    sems = (sem0, sem1)
    for b in range(2):
        pltpu.async_copy(eh_hbm.at[pl.ds(base + b * CH, CH)], rows[b], sems[b])

    def body(it, carry):
        for b in range(2):
            ch = it * 2 + b

            @pl.when(ch < NCH)
            def _():
                pltpu.make_async_copy(eh_hbm.at[pl.ds(base + ch * CH, CH)],
                                      rows[b], sems[b]).wait()
                pltpu.sync_copy(rows[b], shared.at[idx_v.at[ch]], add=True)

                @pl.when(ch + 2 < NCH)
                def _():
                    pltpu.async_copy(
                        eh_hbm.at[pl.ds(base + (ch + 2) * CH, CH)], rows[b],
                        sems[b])
        return carry

    lax.fori_loop(0, (NCH + 1) // 2, body, 0)
    plsc.subcore_barrier()

    pltpu.sync_copy(shared.at[pl.ds(sid * ROWS_PER_TILE, ROWS_PER_TILE)], zbuf)
    pltpu.sync_copy(
        zbuf, part_hbm.at[pl.ds(cid * N + sid * ROWS_PER_TILE, ROWS_PER_TILE)])



def kernel(x, edge_index, edge_attr, W1, b1, W2, b2, Wn, bn, gamma, beta):
    W1a2 = _blockdiag(W1[:D])
    W1b2 = _blockdiag(W1[D:])
    W2d = _blockdiag(W2)
    WnA2 = _blockdiag(Wn[:D])
    WnB2 = _blockdiag(Wn[D:])
    b12 = jnp.tile(b1, 2).reshape(1, 2 * H)
    b22 = jnp.tile(b2, 2).reshape(1, 2 * H)
    bn2 = jnp.tile(bn, 2).reshape(1, 2 * D)
    gm2 = jnp.tile(gamma, 2).reshape(1, 2 * D)
    bt2 = jnp.tile(beta, 2).reshape(1, 2 * D)
    j3 = edge_index[1].reshape(NW, NCH, CH)
    i3 = edge_index[0].reshape(NW, NCH, CH)
    x2 = x.reshape(N // 2, 2 * D)
    ea8 = edge_attr.reshape(E // 8, 8 * ED)

    BN2 = 200
    GN2 = (N // 2) // BN2

    xw2 = pl.pallas_call(
        _xw_body,
        grid=(GN2,),
        in_specs=[pl.BlockSpec((BN2, 2 * D), lambda i: (i, 0)),
                  pl.BlockSpec((2 * D, 2 * H), lambda i: (0, 0))],
        out_specs=pl.BlockSpec((BN2, 2 * H), lambda i: (i, 0)),
        out_shape=jax.ShapeDtypeStruct((N // 2, 2 * H), _f32),
    )(x2, W1a2)
    xw = xw2.reshape(N, H)

    xn2 = pl.pallas_call(
        _xn_body,
        grid=(GN2,),
        in_specs=[pl.BlockSpec((BN2, 2 * D), lambda i: (i, 0)),
                  pl.BlockSpec((2 * D, 2 * D), lambda i: (0, 0)),
                  pl.BlockSpec((1, 2 * D), lambda i: (0, 0))],
        out_specs=pl.BlockSpec((BN2, 2 * D), lambda i: (i, 0)),
        out_shape=jax.ShapeDtypeStruct((N // 2, 2 * D), _f32),
    )(x2, WnA2, bn2)

    mesh = plsc.VectorSubcoreMesh(core_axis_name="c", subcore_axis_name="s")

    gather = pl.kernel(
        _gather_body,
        out_type=jax.ShapeDtypeStruct((E, H), _f32),
        mesh=mesh,
        compiler_params=pltpu.CompilerParams(use_tc_tiling_on_sc=False),
        scratch_types=[
            pltpu.VMEM((NCH, CH), jnp.int32),
            pltpu.VMEM((CH, H), _f32),
            pltpu.VMEM((CH, H), _f32),
            pltpu.SemaphoreType.DMA,
            pltpu.SemaphoreType.DMA,
        ],
    )
    g8 = gather(xw, j3).reshape(E // 8, 8 * H)

    BE8 = 1000
    GE8 = (E // 8) // BE8
    eh8 = pl.pallas_call(
        _edge_body,
        grid=(GE8,),
        in_specs=[pl.BlockSpec((BE8, 8 * H), lambda i: (i, 0)),
                  pl.BlockSpec((BE8, 8 * ED), lambda i: (i, 0)),
                  pl.BlockSpec((2 * ED, 2 * H), lambda i: (0, 0)),
                  pl.BlockSpec((1, 2 * H), lambda i: (0, 0)),
                  pl.BlockSpec((2 * H, 2 * H), lambda i: (0, 0)),
                  pl.BlockSpec((1, 2 * H), lambda i: (0, 0))],
        out_specs=pl.BlockSpec((BE8, 8 * H), lambda i: (i, 0)),
        out_shape=jax.ShapeDtypeStruct((E // 8, 8 * H), _f32),
    )(g8, ea8, W1b2, b12, W2d, b22)
    eh = eh8.reshape(E, H)

    scatter = pl.kernel(
        _scatter_body,
        out_type=jax.ShapeDtypeStruct((NC * N, H), _f32),
        mesh=mesh,
        compiler_params=pltpu.CompilerParams(use_tc_tiling_on_sc=False),
        scratch_types=[
            pltpu.VMEM_SHARED((N, H), _f32),
            pltpu.VMEM((NCH, CH), jnp.int32),
            pltpu.VMEM((CH, H), _f32),
            pltpu.VMEM((CH, H), _f32),
            pltpu.VMEM((ROWS_PER_TILE, H), _f32),
            pltpu.SemaphoreType.DMA,
            pltpu.SemaphoreType.DMA,
        ],
    )
    parts = scatter(eh, i3)
    v = parts.reshape(N, 2 * H)

    out2 = pl.pallas_call(
        _node_body,
        grid=(GN2,),
        in_specs=[pl.BlockSpec((BN2, 2 * D), lambda i: (i, 0)),
                  pl.BlockSpec((BN2, 2 * D), lambda i: (i, 0)),
                  pl.BlockSpec((BN2, 2 * H), lambda i: (i, 0)),
                  pl.BlockSpec((BN2, 2 * H), lambda i: (i + GN2, 0)),
                  pl.BlockSpec((2 * H, 2 * D), lambda i: (0, 0)),
                  pl.BlockSpec((1, 2 * D), lambda i: (0, 0)),
                  pl.BlockSpec((1, 2 * D), lambda i: (0, 0))],
        out_specs=pl.BlockSpec((BN2, 2 * D), lambda i: (i, 0)),
        out_shape=jax.ShapeDtypeStruct((N // 2, 2 * D), _f32),
    )(x2, xn2, v, v, WnB2, gm2, bt2)
    return out2.reshape(N, D)

# --- scband reference (transcript-rebuilt; emitter-appended) ---
"""Pipeline reference for scband-dmpnnlayer-2954937499917 (READ-ONLY COPY).

The authoritative reference and input builder live on the scoring server;
editing this copy changes nothing except your own understanding.
"""

import jax, jax.numpy as jnp
import numpy as np

N = 10000
E = 320000
D = 128      # node_dim
ED = 16      # edge_dim
H = 64       # hidden_dim


def _layer_norm(h, gamma, beta, eps=1e-5):
    mu = jnp.mean(h, axis=-1, keepdims=True)
    var = jnp.mean((h - mu) ** 2, axis=-1, keepdims=True)
    return (h - mu) / jnp.sqrt(var + eps) * gamma + beta


def setup_inputs(seed: int = 0) -> dict:
    key = jax.random.key(seed)
    ks = jax.random.split(key, 12)
    x = jax.random.normal(ks[0], (N, D), dtype=jnp.float32)
    edge_index = jax.random.randint(ks[1], (2, E), 0, N, dtype=jnp.int32)
    edge_attr = jax.random.normal(ks[2], (E, ED), dtype=jnp.float32)
    # edge_mlp: Linear(D+ED -> H), Linear(H -> H)
    W1 = jax.random.normal(ks[3], (D + ED, H), dtype=jnp.float32) / np.sqrt(D + ED)
    b1 = jnp.zeros((H,), dtype=jnp.float32)
    W2 = jax.random.normal(ks[4], (H, H), dtype=jnp.float32) / np.sqrt(H)
    b2 = jnp.zeros((H,), dtype=jnp.float32)
    # node_mlp: Linear(D+H -> D)
    Wn = jax.random.normal(ks[5], (D + H, D), dtype=jnp.float32) / np.sqrt(D + H)
    bn = jnp.zeros((D,), dtype=jnp.float32)
    # LayerNorm params
    gamma = jnp.ones((D,), dtype=jnp.float32)
    beta = jnp.zeros((D,), dtype=jnp.float32)
    return {"x": x, "edge_index": edge_index, "edge_attr": edge_attr,
            "W1": W1, "b1": b1, "W2": W2, "b2": b2,
            "Wn": Wn, "bn": bn, "gamma": gamma, "beta": beta}


def reference(x, edge_index, edge_attr, W1, b1, W2, b2, Wn, bn, gamma, beta):
    i = edge_index[0]
    j = edge_index[1]
    # gather source node features
    src_x = jnp.take(x, j, axis=0)
    # edge MLP (two Linear+ReLU)
    e_in = jnp.concatenate([src_x, edge_attr], axis=-1)
    h = jax.nn.relu(e_in @ W1 + b1)
    e_hidden = jax.nn.relu(h @ W2 + b2)
    # scatter-sum aggregation onto destination nodes
    agg = jax.ops.segment_sum(e_hidden, i, num_segments=x.shape[0])
    # node MLP (Linear+ReLU), dropout is identity (p=0 / eval)
    out = jax.nn.relu(jnp.concatenate([x, agg], axis=-1) @ Wn + bn)
    # residual + LayerNorm
    return _layer_norm(out + x, gamma, beta)

if __name__ == "__main__":
    import jax
    _d = setup_inputs()
    print(jax.jit(kernel)(*tuple(_d.values())))

</pallas_src>

<mosaic_0001>
#map = affine_map<(d0, d1) -> (0, 0)>
#map1 = affine_map<(d0, d1) -> (0, 0, 0)>
module attributes {stable_mosaic.version = 14 : i64} {
  func.func @_gather_body(%arg0: i32, %arg1: i32, %arg2: memref<10000x64xf32, #tpu.memory_space<hbm>>, %arg3: memref<32x125x80xi32, #tpu.memory_space<hbm>>, %arg4: memref<320000x64xf32, #tpu.memory_space<hbm>>, %arg5: memref<125x80xi32, #tpu.memory_space<vmem>>, %arg6: memref<80x64xf32, #tpu.memory_space<vmem>>, %arg7: memref<80x64xf32, #tpu.memory_space<vmem>>, %arg8: memref<!tpu.dma_semaphore, #tpu.memory_space<semaphore_mem>>, %arg9: memref<!tpu.dma_semaphore, #tpu.memory_space<semaphore_mem>>) attributes {dimension_semantics = [#tpu.dimension_semantics<core_parallel>, #tpu.dimension_semantics<subcore_parallel>], iteration_bounds = array<i64: 2, 16>, scalar_prefetch = 0 : i64, scratch_operands = 5 : i64, tpu.core_type = #tpu.core_type<sc_vector_subcore>, window_params = [{transform_indices = #map}, {transform_indices = #map1}, {transform_indices = #map}]} {
    %mul3A = arith.constant 2 : i32
    %mul3A_0 = arith.muli %arg1, %mul3A : i32
    %add3A = arith.addi %mul3A_0, %arg0 : i32
    %mul3A_1 = arith.constant 10000 : i32
    %mul3A_2 = arith.muli %add3A, %mul3A_1 : i32
    "tpu.region"() ({
      %run_scoped3A = tpu.sem_alloc : memref<!tpu.dma_semaphore, #tpu.memory_space<semaphore_mem>>
      %dma_start3A_21 = arith.constant 0 : i32
      %dma_start3A_22 = arith.constant 0 : i32
      %dma_start3A_23 = tpu.memref_slice %arg3[%add3A, %dma_start3A_21, %dma_start3A_22] : memref<32x125x80xi32, #tpu.memory_space<hbm>> -> memref<1x125x80xi32, #tpu.memory_space<hbm>>
      %dma_start3A_24 = tpu.memref_squeeze %dma_start3A_23 : memref<1x125x80xi32, #tpu.memory_space<hbm>> -> memref<125x80xi32, #tpu.memory_space<hbm>>
      %dma_start3A_25 = arith.constant 0 : i32
      %dma_start3A_26 = arith.constant 0 : i32
      %dma_start3A_27 = tpu.memref_slice %arg3[%add3A, %dma_start3A_25, %dma_start3A_26] : memref<32x125x80xi32, #tpu.memory_space<hbm>> -> memref<1x125x80xi32, #tpu.memory_space<hbm>>
      %dma_start3A_28 = tpu.memref_squeeze %dma_start3A_27 : memref<1x125x80xi32, #tpu.memory_space<hbm>> -> memref<125x80xi32, #tpu.memory_space<hbm>>
      tpu.enqueue_dma source(%dma_start3A_28 : memref<125x80xi32, #tpu.memory_space<hbm>>) target(%arg5 : memref<125x80xi32, #tpu.memory_space<vmem>>) target_semaphore(%run_scoped3A : memref<!tpu.dma_semaphore, #tpu.memory_space<semaphore_mem>>)
      %dma_wait3A = arith.constant 0 : i32
      %dma_wait3A_29 = arith.constant 0 : i32
      %dma_wait3A_30 = tpu.memref_slice %arg3[%add3A, %dma_wait3A, %dma_wait3A_29] : memref<32x125x80xi32, #tpu.memory_space<hbm>> -> memref<1x125x80xi32, #tpu.memory_space<hbm>>
      %dma_wait3A_31 = tpu.memref_squeeze %dma_wait3A_30 : memref<1x125x80xi32, #tpu.memory_space<hbm>> -> memref<125x80xi32, #tpu.memory_space<hbm>>
      %dma_wait3A_32 = arith.constant 0 : i32
      %dma_wait3A_33 = arith.constant 0 : i32
      %dma_wait3A_34 = tpu.memref_slice %arg3[%add3A, %dma_wait3A_32, %dma_wait3A_33] : memref<32x125x80xi32, #tpu.memory_space<hbm>> -> memref<1x125x80xi32, #tpu.memory_space<hbm>>
      %dma_wait3A_35 = tpu.memref_squeeze %dma_wait3A_34 : memref<1x125x80xi32, #tpu.memory_space<hbm>> -> memref<125x80xi32, #tpu.memory_space<hbm>>
      tpu.wait_dma2 semaphore(%run_scoped3A : memref<!tpu.dma_semaphore, #tpu.memory_space<semaphore_mem>>) src(%dma_wait3A_35 : memref<125x80xi32, #tpu.memory_space<hbm>>) dst(%arg5 : memref<125x80xi32, #tpu.memory_space<vmem>>)
      tpu.yield
    }) : () -> ()
    %dma_start3A = arith.constant 0 : i32
    %dma_start3A_3 = arith.constant 0 : i32
    %dma_start3A_4 = tpu.memref_slice %arg5[%dma_start3A, %dma_start3A_3] : memref<125x80xi32, #tpu.memory_space<vmem>> -> memref<1x80xi32, #tpu.memory_space<vmem>>
    %dma_start3A_5 = tpu.memref_squeeze %dma_start3A_4 : memref<1x80xi32, #tpu.memory_space<vmem>> -> memref<80xi32, #tpu.memory_space<vmem>>
    %dma_start3A_6 = arith.constant 0 : i32
    %dma_start3A_7 = arith.constant 0 : i32
    %dma_start3A_8 = tpu.memref_slice %arg2[%dma_start3A_6, %dma_start3A_7] : memref<10000x64xf32, #tpu.memory_space<hbm>> -> memref<10000x64xf32, #tpu.memory_space<hbm>>
    tpu.enqueue_indirect_dma source(%dma_start3A_8 : memref<10000x64xf32, #tpu.memory_space<hbm>>) target(%arg6 : memref<80x64xf32, #tpu.memory_space<vmem>>) offsets(%dma_start3A_5 : memref<80xi32, #tpu.memory_space<vmem>>) semaphore(%arg8 : memref<!tpu.dma_semaphore, #tpu.memory_space<semaphore_mem>>)
    %dma_start3A_9 = arith.constant 1 : i32
    %dma_start3A_10 = arith.constant 0 : i32
    %dma_start3A_11 = tpu.memref_slice %arg5[%dma_start3A_9, %dma_start3A_10] : memref<125x80xi32, #tpu.memory_space<vmem>> -> memref<1x80xi32, #tpu.memory_space<vmem>>
    %dma_start3A_12 = tpu.memref_squeeze %dma_start3A_11 : memref<1x80xi32, #tpu.memory_space<vmem>> -> memref<80xi32, #tpu.memory_space<vmem>>
    %dma_start3A_13 = arith.constant 0 : i32
    %dma_start3A_14 = arith.constant 0 : i32
    %dma_start3A_15 = tpu.memref_slice %arg2[%dma_start3A_13, %dma_start3A_14] : memref<10000x64xf32, #tpu.memory_space<hbm>> -> memref<10000x64xf32, #tpu.memory_space<hbm>>
    tpu.enqueue_indirect_dma source(%dma_start3A_15 : memref<10000x64xf32, #tpu.memory_space<hbm>>) target(%arg7 : memref<80x64xf32, #tpu.memory_space<vmem>>) offsets(%dma_start3A_12 : memref<80xi32, #tpu.memory_space<vmem>>) semaphore(%arg9 : memref<!tpu.dma_semaphore, #tpu.memory_space<semaphore_mem>>)
    %scan3A = arith.constant 0 : i32
    %scan3A_16 = arith.constant 0 : i32
    %scan3A_17 = arith.constant 63 : i32
    %scan3A_18 = arith.addi %scan3A_16, %scan3A_17 : i32
    %scan3A_19 = arith.constant 1 : i32
    scf.for %scan3A_21 = %scan3A_16 to %scan3A_18 step %scan3A_19  : i32 {
      %mul3A_22 = arith.constant 2 : i32
      %mul3A_23 = arith.muli %scan3A_21, %mul3A_22 : i32
      %add3A_24 = arith.constant 0 : i32
      %add3A_25 = arith.addi %mul3A_23, %add3A_24 : i32
      %lt3A = arith.constant 125 : i32
      %lt3A_26 = arith.cmpi slt, %add3A_25, %lt3A : i32
      %convert_element_type3A = arith.extui %lt3A_26 : i1 to i32
      %cond3A = arith.constant 0 : i32
      %cond3A_27 = arith.cmpi ne, %convert_element_type3A, %cond3A : i32
      scf.if %cond3A_27 {
        %dma_wait3A = arith.constant 0 : i32
        %dma_wait3A_37 = tpu.memref_slice %arg5[%add3A_25, %dma_wait3A] : memref<125x80xi32, #tpu.memory_space<vmem>> -> memref<1x80xi32, #tpu.memory_space<vmem>>
        %dma_wait3A_38 = tpu.memref_squeeze %dma_wait3A_37 : memref<1x80xi32, #tpu.memory_space<vmem>> -> memref<80xi32, #tpu.memory_space<vmem>>
        %dma_wait3A_39 = arith.constant 0 : i32
        %dma_wait3A_40 = arith.constant 0 : i32
        %dma_wait3A_41 = tpu.memref_slice %arg2[%dma_wait3A_39, %dma_wait3A_40] : memref<10000x64xf32, #tpu.memory_space<hbm>> -> memref<10000x64xf32, #tpu.memory_space<hbm>>
        tpu.wait_indirect_dma semaphore(%arg8 : memref<!tpu.dma_semaphore, #tpu.memory_space<semaphore_mem>>) src(%dma_wait3A_41 : memref<10000x64xf32, #tpu.memory_space<hbm>>) dst(%arg6 : memref<80x64xf32, #tpu.memory_space<vmem>>)
        %mul3A_42 = arith.constant 80 : i32
        %mul3A_43 = arith.muli %add3A_25, %mul3A_42 : i32
        %add3A_44 = arith.addi %mul3A_2, %mul3A_43 : i32
        "tpu.region"() ({
          %run_scoped3A = tpu.sem_alloc : memref<!tpu.dma_semaphore, #tpu.memory_space<semaphore_mem>>
          %dma_start3A_52 = arith.constant 0 : i32
          %dma_start3A_53 = tpu.memref_slice %arg4[%add3A_44, %dma_start3A_52] : memref<320000x64xf32, #tpu.memory_space<hbm>> -> memref<80x64xf32, #tpu.memory_space<hbm>>
          %dma_start3A_54 = arith.constant 0 : i32
          %dma_start3A_55 = tpu.memref_slice %arg4[%add3A_44, %dma_start3A_54] : memref<320000x64xf32, #tpu.memory_space<hbm>> -> memref<80x64xf32, #tpu.memory_space<hbm>>
          tpu.enqueue_dma source(%arg6 : memref<80x64xf32, #tpu.memory_space<vmem>>) target(%dma_start3A_55 : memref<80x64xf32, #tpu.memory_space<hbm>>) target_semaphore(%run_scoped3A : memref<!tpu.dma_semaphore, #tpu.memory_space<semaphore_mem>>)
          %dma_wait3A_56 = arith.constant 0 : i32
          %dma_wait3A_57 = tpu.memref_slice %arg4[%add3A_44, %dma_wait3A_56] : memref<320000x64xf32, #tpu.memory_space<hbm>> -> memref<80x64xf32, #tpu.memory_space<hbm>>
          %dma_wait3A_58 = arith.constant 0 : i32
          %dma_wait3A_59 = tpu.memref_slice %arg4[%add3A_44, %dma_wait3A_58] : memref<320000x64xf32, #tpu.memory_space<hbm>> -> memref<80x64xf32, #tpu.memory_space<hbm>>
          tpu.wait_dma2 semaphore(%run_scoped3A : memref<!tpu.dma_semaphore, #tpu.memory_space<semaphore_mem>>) src(%arg6 : memref<80x64xf32, #tpu.memory_space<vmem>>) dst(%dma_wait3A_59 : memref<80x64xf32, #tpu.memory_space<hbm>>)
          tpu.yield
        }) : () -> ()
        %add3A_45 = arith.constant 2 : i32
        %add3A_46 = arith.addi %add3A_25, %add3A_45 : i32
        %lt3A_47 = arith.constant 125 : i32
        %lt3A_48 = arith.cmpi slt, %add3A_46, %lt3A_47 : i32
        %convert_element_type3A_49 = arith.extui %lt3A_48 : i1 to i32
        %cond3A_50 = arith.constant 0 : i32
        %cond3A_51 = arith.cmpi ne, %convert_element_type3A_49, %cond3A_50 : i32
        scf.if %cond3A_51 {
          %add3A_52 = arith.constant 2 : i32
          %add3A_53 = arith.addi %add3A_25, %add3A_52 : i32
          %dma_start3A_54 = arith.constant 0 : i32
          %dma_start3A_55 = tpu.memref_slice %arg5[%add3A_53, %dma_start3A_54] : memref<125x80xi32, #tpu.memory_space<vmem>> -> memref<1x80xi32, #tpu.memory_space<vmem>>
          %dma_start3A_56 = tpu.memref_squeeze %dma_start3A_55 : memref<1x80xi32, #tpu.memory_space<vmem>> -> memref<80xi32, #tpu.memory_space<vmem>>
          %dma_start3A_57 = arith.constant 0 : i32
          %dma_start3A_58 = arith.constant 0 : i32
          %dma_start3A_59 = tpu.memref_slice %arg2[%dma_start3A_57, %dma_start3A_58] : memref<10000x64xf32, #tpu.memory_space<hbm>> -> memref<10000x64xf32, #tpu.memory_space<hbm>>
          tpu.enqueue_indirect_dma source(%dma_start3A_59 : memref<10000x64xf32, #tpu.memory_space<hbm>>) target(%arg6 : memref<80x64xf32, #tpu.memory_space<vmem>>) offsets(%dma_start3A_56 : memref<80xi32, #tpu.memory_space<vmem>>) semaphore(%arg8 : memref<!tpu.dma_semaphore, #tpu.memory_space<semaphore_mem>>)
        } else {
        }
      } else {
      }
      %mul3A_28 = arith.constant 2 : i32
      %mul3A_29 = arith.muli %scan3A_21, %mul3A_28 : i32
      %add3A_30 = arith.constant 1 : i32
      %add3A_31 = arith.addi %mul3A_29, %add3A_30 : i32
      %lt3A_32 = arith.constant 125 : i32
      %lt3A_33 = arith.cmpi slt, %add3A_31, %lt3A_32 : i32
      %convert_element_type3A_34 = arith.extui %lt3A_33 : i1 to i32
      %cond3A_35 = arith.constant 0 : i32
      %cond3A_36 = arith.cmpi ne, %convert_element_type3A_34, %cond3A_35 : i32
      scf.if %cond3A_36 {
        %dma_wait3A = arith.constant 0 : i32
        %dma_wait3A_37 = tpu.memref_slice %arg5[%add3A_31, %dma_wait3A] : memref<125x80xi32, #tpu.memory_space<vmem>> -> memref<1x80xi32, #tpu.memory_space<vmem>>
        %dma_wait3A_38 = tpu.memref_squeeze %dma_wait3A_37 : memref<1x80xi32, #tpu.memory_space<vmem>> -> memref<80xi32, #tpu.memory_space<vmem>>
        %dma_wait3A_39 = arith.constant 0 : i32
        %dma_wait3A_40 = arith.constant 0 : i32
        %dma_wait3A_41 = tpu.memref_slice %arg2[%dma_wait3A_39, %dma_wait3A_40] : memref<10000x64xf32, #tpu.memory_space<hbm>> -> memref<10000x64xf32, #tpu.memory_space<hbm>>
        tpu.wait_indirect_dma semaphore(%arg9 : memref<!tpu.dma_semaphore, #tpu.memory_space<semaphore_mem>>) src(%dma_wait3A_41 : memref<10000x64xf32, #tpu.memory_space<hbm>>) dst(%arg7 : memref<80x64xf32, #tpu.memory_space<vmem>>)
        %mul3A_42 = arith.constant 80 : i32
        %mul3A_43 = arith.muli %add3A_31, %mul3A_42 : i32
        %add3A_44 = arith.addi %mul3A_2, %mul3A_43 : i32
        "tpu.region"() ({
          %run_scoped3A = tpu.sem_alloc : memref<!tpu.dma_semaphore, #tpu.memory_space<semaphore_mem>>
          %dma_start3A_52 = arith.constant 0 : i32
          %dma_start3A_53 = tpu.memref_slice %arg4[%add3A_44, %dma_start3A_52] : memref<320000x64xf32, #tpu.memory_space<hbm>> -> memref<80x64xf32, #tpu.memory_space<hbm>>
          %dma_start3A_54 = arith.constant 0 : i32
          %dma_start3A_55 = tpu.memref_slice %arg4[%add3A_44, %dma_start3A_54] : memref<320000x64xf32, #tpu.memory_space<hbm>> -> memref<80x64xf32, #tpu.memory_space<hbm>>
          tpu.enqueue_dma source(%arg7 : memref<80x64xf32, #tpu.memory_space<vmem>>) target(%dma_start3A_55 : memref<80x64xf32, #tpu.memory_space<hbm>>) target_semaphore(%run_scoped3A : memref<!tpu.dma_semaphore, #tpu.memory_space<semaphore_mem>>)
          %dma_wait3A_56 = arith.constant 0 : i32
          %dma_wait3A_57 = tpu.memref_slice %arg4[%add3A_44, %dma_wait3A_56] : memref<320000x64xf32, #tpu.memory_space<hbm>> -> memref<80x64xf32, #tpu.memory_space<hbm>>
          %dma_wait3A_58 = arith.constant 0 : i32
          %dma_wait3A_59 = tpu.memref_slice %arg4[%add3A_44, %dma_wait3A_58] : memref<320000x64xf32, #tpu.memory_space<hbm>> -> memref<80x64xf32, #tpu.memory_space<hbm>>
          tpu.wait_dma2 semaphore(%run_scoped3A : memref<!tpu.dma_semaphore, #tpu.memory_space<semaphore_mem>>) src(%arg7 : memref<80x64xf32, #tpu.memory_space<vmem>>) dst(%dma_wait3A_59 : memref<80x64xf32, #tpu.memory_space<hbm>>)
          tpu.yield
        }) : () -> ()
        %add3A_45 = arith.constant 2 : i32
        %add3A_46 = arith.addi %add3A_31, %add3A_45 : i32
        %lt3A_47 = arith.constant 125 : i32
        %lt3A_48 = arith.cmpi slt, %add3A_46, %lt3A_47 : i32
        %convert_element_type3A_49 = arith.extui %lt3A_48 : i1 to i32
        %cond3A_50 = arith.constant 0 : i32
        %cond3A_51 = arith.cmpi ne, %convert_element_type3A_49, %cond3A_50 : i32
        scf.if %cond3A_51 {
          %add3A_52 = arith.constant 2 : i32
          %add3A_53 = arith.addi %add3A_31, %add3A_52 : i32
          %dma_start3A_54 = arith.constant 0 : i32
          %dma_start3A_55 = tpu.memref_slice %arg5[%add3A_53, %dma_start3A_54] : memref<125x80xi32, #tpu.memory_space<vmem>> -> memref<1x80xi32, #tpu.memory_space<vmem>>
          %dma_start3A_56 = tpu.memref_squeeze %dma_start3A_55 : memref<1x80xi32, #tpu.memory_space<vmem>> -> memref<80xi32, #tpu.memory_space<vmem>>
          %dma_start3A_57 = arith.constant 0 : i32
          %dma_start3A_58 = arith.constant 0 : i32
          %dma_start3A_59 = tpu.memref_slice %arg2[%dma_start3A_57, %dma_start3A_58] : memref<10000x64xf32, #tpu.memory_space<hbm>> -> memref<10000x64xf32, #tpu.memory_space<hbm>>
          tpu.enqueue_indirect_dma source(%dma_start3A_59 : memref<10000x64xf32, #tpu.memory_space<hbm>>) target(%arg7 : memref<80x64xf32, #tpu.memory_space<vmem>>) offsets(%dma_start3A_56 : memref<80xi32, #tpu.memory_space<vmem>>) semaphore(%arg9 : memref<!tpu.dma_semaphore, #tpu.memory_space<semaphore_mem>>)
        } else {
        }
      } else {
      }
    }
    %scan3A_20 = arith.constant 63 : i32
    return
  }
}

#map = affine_map<(d0, d1) -> (0, 0)>
#map1 = affine_map<(d0, d1) -> (0, 0, 0)>
module attributes {stable_mosaic.version = 14 : i64} {
  func.func @_scatter_body(%arg0: i32, %arg1: i32, %arg2: memref<320000x64xf32, #tpu.memory_space<hbm>>, %arg3: memref<32x125x80xi32, #tpu.memory_space<hbm>>, %arg4: memref<20000x64xf32, #tpu.memory_space<hbm>>, %arg5: memref<10000x64xf32, #tpu.memory_space<vmem_shared>>, %arg6: memref<125x80xi32, #tpu.memory_space<vmem>>, %arg7: memref<80x64xf32, #tpu.memory_space<vmem>>, %arg8: memref<80x64xf32, #tpu.memory_space<vmem>>, %arg9: memref<625x64xf32, #tpu.memory_space<vmem>>, %arg10: memref<!tpu.dma_semaphore, #tpu.memory_space<semaphore_mem>>, %arg11: memref<!tpu.dma_semaphore, #tpu.memory_space<semaphore_mem>>) attributes {dimension_semantics = [#tpu.dimension_semantics<core_parallel>, #tpu.dimension_semantics<subcore_parallel>], iteration_bounds = array<i64: 2, 16>, scalar_prefetch = 0 : i64, scratch_operands = 7 : i64, tpu.core_type = #tpu.core_type<sc_vector_subcore>, window_params = [{transform_indices = #map}, {transform_indices = #map1}, {transform_indices = #map}]} {
    %mul3A = arith.constant 2 : i32
    %mul3A_0 = arith.muli %arg1, %mul3A : i32
    %add3A = arith.addi %mul3A_0, %arg0 : i32
    %mul3A_1 = arith.constant 10000 : i32
    %mul3A_2 = arith.muli %add3A, %mul3A_1 : i32
    "tpu.region"() ({
      %run_scoped3A = tpu.sem_alloc : memref<!tpu.dma_semaphore, #tpu.memory_space<semaphore_mem>>
      %dma_start3A_36 = arith.constant 0 : i32
      %dma_start3A_37 = arith.constant 0 : i32
      %dma_start3A_38 = tpu.memref_slice %arg3[%add3A, %dma_start3A_36, %dma_start3A_37] : memref<32x125x80xi32, #tpu.memory_space<hbm>> -> memref<1x125x80xi32, #tpu.memory_space<hbm>>
      %dma_start3A_39 = tpu.memref_squeeze %dma_start3A_38 : memref<1x125x80xi32, #tpu.memory_space<hbm>> -> memref<125x80xi32, #tpu.memory_space<hbm>>
      %dma_start3A_40 = arith.constant 0 : i32
      %dma_start3A_41 = arith.constant 0 : i32
      %dma_start3A_42 = tpu.memref_slice %arg3[%add3A, %dma_start3A_40, %dma_start3A_41] : memref<32x125x80xi32, #tpu.memory_space<hbm>> -> memref<1x125x80xi32, #tpu.memory_space<hbm>>
      %dma_start3A_43 = tpu.memref_squeeze %dma_start3A_42 : memref<1x125x80xi32, #tpu.memory_space<hbm>> -> memref<125x80xi32, #tpu.memory_space<hbm>>
      tpu.enqueue_dma source(%dma_start3A_43 : memref<125x80xi32, #tpu.memory_space<hbm>>) target(%arg6 : memref<125x80xi32, #tpu.memory_space<vmem>>) target_semaphore(%run_scoped3A : memref<!tpu.dma_semaphore, #tpu.memory_space<semaphore_mem>>)
      %dma_wait3A = arith.constant 0 : i32
      %dma_wait3A_44 = arith.constant 0 : i32
      %dma_wait3A_45 = tpu.memref_slice %arg3[%add3A, %dma_wait3A, %dma_wait3A_44] : memref<32x125x80xi32, #tpu.memory_space<hbm>> -> memref<1x125x80xi32, #tpu.memory_space<hbm>>
      %dma_wait3A_46 = tpu.memref_squeeze %dma_wait3A_45 : memref<1x125x80xi32, #tpu.memory_space<hbm>> -> memref<125x80xi32, #tpu.memory_space<hbm>>
      %dma_wait3A_47 = arith.constant 0 : i32
      %dma_wait3A_48 = arith.constant 0 : i32
      %dma_wait3A_49 = tpu.memref_slice %arg3[%add3A, %dma_wait3A_47, %dma_wait3A_48] : memref<32x125x80xi32, #tpu.memory_space<hbm>> -> memref<1x125x80xi32, #tpu.memory_space<hbm>>
      %dma_wait3A_50 = tpu.memref_squeeze %dma_wait3A_49 : memref<1x125x80xi32, #tpu.memory_space<hbm>> -> memref<125x80xi32, #tpu.memory_space<hbm>>
      tpu.wait_dma2 semaphore(%run_scoped3A : memref<!tpu.dma_semaphore, #tpu.memory_space<semaphore_mem>>) src(%dma_wait3A_50 : memref<125x80xi32, #tpu.memory_space<hbm>>) dst(%arg6 : memref<125x80xi32, #tpu.memory_space<vmem>>)
      tpu.yield
    }) : () -> ()
    %broadcast_in_dim3A = arith.constant 0.000000e+00 : f32
    %broadcast_in_dim3A_3 = vector.broadcast %broadcast_in_dim3A : f32 to vector<16xf32>
    %scan3A = arith.constant 0 : i32
    %scan3A_4 = arith.constant 0 : i32
    %scan3A_5 = arith.constant 625 : i32
    %scan3A_6 = arith.addi %scan3A_4, %scan3A_5 : i32
    %scan3A_7 = arith.constant 1 : i32
    scf.for %scan3A_36 = %scan3A_4 to %scan3A_6 step %scan3A_7  : i32 {
      %swap3A = arith.index_cast %scan3A_36 : i32 to index
      %swap3A_37 = arith.constant 0 : index
      %swap3A_38 = tpu.vector_load %arg9[%swap3A, %swap3A_37] {strides = array<i32>} : memref<625x64xf32, #tpu.memory_space<vmem>>, vector<1x16xf32>,
      %swap3A_39 = vector.shape_cast %swap3A_38 : vector<1x16xf32> to vector<16xf32>
      %swap3A_40 = vector.shape_cast %broadcast_in_dim3A_3 : vector<16xf32> to vector<1x16xf32>
      tpu.vector_store %arg9[%swap3A, %swap3A_37], %swap3A_40 {strides = array<i32>} : memref<625x64xf32, #tpu.memory_space<vmem>>, vector<1x16xf32>,
      %swap3A_41 = arith.index_cast %scan3A_36 : i32 to index
      %swap3A_42 = arith.constant 16 : index
      %swap3A_43 = tpu.vector_load %arg9[%swap3A_41, %swap3A_42] {strides = array<i32>} : memref<625x64xf32, #tpu.memory_space<vmem>>, vector<1x16xf32>,
      %swap3A_44 = vector.shape_cast %swap3A_43 : vector<1x16xf32> to vector<16xf32>
      %swap3A_45 = vector.shape_cast %broadcast_in_dim3A_3 : vector<16xf32> to vector<1x16xf32>
      tpu.vector_store %arg9[%swap3A_41, %swap3A_42], %swap3A_45 {strides = array<i32>} : memref<625x64xf32, #tpu.memory_space<vmem>>, vector<1x16xf32>,
      %swap3A_46 = arith.index_cast %scan3A_36 : i32 to index
      %swap3A_47 = arith.constant 32 : index
      %swap3A_48 = tpu.vector_load %arg9[%swap3A_46, %swap3A_47] {strides = array<i32>} : memref<625x64xf32, #tpu.memory_space<vmem>>, vector<1x16xf32>,
      %swap3A_49 = vector.shape_cast %swap3A_48 : vector<1x16xf32> to vector<16xf32>
      %swap3A_50 = vector.shape_cast %broadcast_in_dim3A_3 : vector<16xf32> to vector<1x16xf32>
      tpu.vector_store %arg9[%swap3A_46, %swap3A_47], %swap3A_50 {strides = array<i32>} : memref<625x64xf32, #tpu.memory_space<vmem>>, vector<1x16xf32>,
      %swap3A_51 = arith.index_cast %scan3A_36 : i32 to index
      %swap3A_52 = arith.constant 48 : index
      %swap3A_53 = tpu.vector_load %arg9[%swap3A_51, %swap3A_52] {strides = array<i32>} : memref<625x64xf32, #tpu.memory_space<vmem>>, vector<1x16xf32>,
      %swap3A_54 = vector.shape_cast %swap3A_53 : vector<1x16xf32> to vector<16xf32>
      %swap3A_55 = vector.shape_cast %broadcast_in_dim3A_3 : vector<16xf32> to vector<1x16xf32>
      tpu.vector_store %arg9[%swap3A_51, %swap3A_52], %swap3A_55 {strides = array<i32>} : memref<625x64xf32, #tpu.memory_space<vmem>>, vector<1x16xf32>,
    }
    %scan3A_8 = arith.constant 625 : i32
    %mul3A_9 = arith.constant 625 : i32
    %mul3A_10 = arith.muli %arg1, %mul3A_9 : i32
    "tpu.region"() ({
      %run_scoped3A = tpu.sem_alloc : memref<!tpu.dma_semaphore, #tpu.memory_space<semaphore_mem>>
      %dma_start3A_36 = arith.constant 0 : i32
      %dma_start3A_37 = tpu.memref_slice %arg5[%mul3A_10, %dma_start3A_36] : memref<10000x64xf32, #tpu.memory_space<vmem_shared>> -> memref<625x64xf32, #tpu.memory_space<vmem_shared>>
      %dma_start3A_38 = arith.constant 0 : i32
      %dma_start3A_39 = tpu.memref_slice %arg5[%mul3A_10, %dma_start3A_38] : memref<10000x64xf32, #tpu.memory_space<vmem_shared>> -> memref<625x64xf32, #tpu.memory_space<vmem_shared>>
      tpu.enqueue_dma source(%arg9 : memref<625x64xf32, #tpu.memory_space<vmem>>) target(%dma_start3A_39 : memref<625x64xf32, #tpu.memory_space<vmem_shared>>) target_semaphore(%run_scoped3A : memref<!tpu.dma_semaphore, #tpu.memory_space<semaphore_mem>>)
      %dma_wait3A = arith.constant 0 : i32
      %dma_wait3A_40 = tpu.memref_slice %arg5[%mul3A_10, %dma_wait3A] : memref<10000x64xf32, #tpu.memory_space<vmem_shared>> -> memref<625x64xf32, #tpu.memory_space<vmem_shared>>
      %dma_wait3A_41 = arith.constant 0 : i32
      %dma_wait3A_42 = tpu.memref_slice %arg5[%mul3A_10, %dma_wait3A_41] : memref<10000x64xf32, #tpu.memory_space<vmem_shared>> -> memref<625x64xf32, #tpu.memory_space<vmem_shared>>
      tpu.wait_dma2 semaphore(%run_scoped3A : memref<!tpu.dma_semaphore, #tpu.memory_space<semaphore_mem>>) src(%arg9 : memref<625x64xf32, #tpu.memory_space<vmem>>) dst(%dma_wait3A_42 : memref<625x64xf32, #tpu.memory_space<vmem_shared>>)
      tpu.yield
    }) : () -> ()
    %barrier3A = arith.constant 0 : index
    tpu.barrier barrier_id(%barrier3A)
    %add3A_11 = arith.constant 0 : i32
    %add3A_12 = arith.addi %mul3A_2, %add3A_11 : i32
    %dma_start3A = arith.constant 0 : i32
    %dma_start3A_13 = tpu.memref_slice %arg2[%add3A_12, %dma_start3A] : memref<320000x64xf32, #tpu.memory_space<hbm>> -> memref<80x64xf32, #tpu.memory_space<hbm>>
    %dma_start3A_14 = arith.constant 0 : i32
    %dma_start3A_15 = tpu.memref_slice %arg2[%add3A_12, %dma_start3A_14] : memref<320000x64xf32, #tpu.memory_space<hbm>> -> memref<80x64xf32, #tpu.memory_space<hbm>>
    tpu.enqueue_dma source(%dma_start3A_15 : memref<80x64xf32, #tpu.memory_space<hbm>>) target(%arg7 : memref<80x64xf32, #tpu.memory_space<vmem>>) target_semaphore(%arg10 : memref<!tpu.dma_semaphore, #tpu.memory_space<semaphore_mem>>)
    %add3A_16 = arith.constant 80 : i32
    %add3A_17 = arith.addi %mul3A_2, %add3A_16 : i32
    %dma_start3A_18 = arith.constant 0 : i32
    %dma_start3A_19 = tpu.memref_slice %arg2[%add3A_17, %dma_start3A_18] : memref<320000x64xf32, #tpu.memory_space<hbm>> -> memref<80x64xf32, #tpu.memory_space<hbm>>
    %dma_start3A_20 = arith.constant 0 : i32
    %dma_start3A_21 = tpu.memref_slice %arg2[%add3A_17, %dma_start3A_20] : memref<320000x64xf32, #tpu.memory_space<hbm>> -> memref<80x64xf32, #tpu.memory_space<hbm>>
    tpu.enqueue_dma source(%dma_start3A_21 : memref<80x64xf32, #tpu.memory_space<hbm>>) target(%arg8 : memref<80x64xf32, #tpu.memory_space<vmem>>) target_semaphore(%arg11 : memref<!tpu.dma_semaphore, #tpu.memory_space<semaphore_mem>>)
    %scan3A_22 = arith.constant 0 : i32
    %scan3A_23 = arith.constant 0 : i32
    %scan3A_24 = arith.constant 63 : i32
    %scan3A_25 = arith.addi %scan3A_23, %scan3A_24 : i32
    %scan3A_26 = arith.constant 1 : i32
    scf.for %scan3A_36 = %scan3A_23 to %scan3A_25 step %scan3A_26  : i32 {
      %mul3A_37 = arith.constant 2 : i32
      %mul3A_38 = arith.muli %scan3A_36, %mul3A_37 : i32
      %add3A_39 = arith.constant 0 : i32
      %add3A_40 = arith.addi %mul3A_38, %add3A_39 : i32
      %lt3A = arith.constant 125 : i32
      %lt3A_41 = arith.cmpi slt, %add3A_40, %lt3A : i32
      %convert_element_type3A = arith.extui %lt3A_41 : i1 to i32
      %cond3A = arith.constant 0 : i32
      %cond3A_42 = arith.cmpi ne, %convert_element_type3A, %cond3A : i32
      scf.if %cond3A_42 {
        %mul3A_52 = arith.constant 80 : i32
        %mul3A_53 = arith.muli %add3A_40, %mul3A_52 : i32
        %add3A_54 = arith.addi %mul3A_2, %mul3A_53 : i32
        %dma_wait3A = arith.constant 0 : i32
        %dma_wait3A_55 = tpu.memref_slice %arg2[%add3A_54, %dma_wait3A] : memref<320000x64xf32, #tpu.memory_space<hbm>> -> memref<80x64xf32, #tpu.memory_space<hbm>>
        %dma_wait3A_56 = arith.constant 0 : i32
        %dma_wait3A_57 = tpu.memref_slice %arg2[%add3A_54, %dma_wait3A_56] : memref<320000x64xf32, #tpu.memory_space<hbm>> -> memref<80x64xf32, #tpu.memory_space<hbm>>
        tpu.wait_dma2 semaphore(%arg10 : memref<!tpu.dma_semaphore, #tpu.memory_space<semaphore_mem>>) src(%dma_wait3A_57 : memref<80x64xf32, #tpu.memory_space<hbm>>) dst(%arg7 : memref<80x64xf32, #tpu.memory_space<vmem>>)
        "tpu.region"() ({
          %run_scoped3A = tpu.sem_alloc : memref<!tpu.dma_semaphore, #tpu.memory_space<semaphore_mem>>
          %dma_start3A_65 = arith.constant 0 : i32
          %dma_start3A_66 = tpu.memref_slice %arg6[%add3A_40, %dma_start3A_65] : memref<125x80xi32, #tpu.memory_space<vmem>> -> memref<1x80xi32, #tpu.memory_space<vmem>>
          %dma_start3A_67 = tpu.memref_squeeze %dma_start3A_66 : memref<1x80xi32, #tpu.memory_space<vmem>> -> memref<80xi32, #tpu.memory_space<vmem>>
          %dma_start3A_68 = arith.constant 0 : i32
          %dma_start3A_69 = arith.constant 0 : i32
          %dma_start3A_70 = tpu.memref_slice %arg5[%dma_start3A_68, %dma_start3A_69] : memref<10000x64xf32, #tpu.memory_space<vmem_shared>> -> memref<10000x64xf32, #tpu.memory_space<vmem_shared>>
          tpu.enqueue_indirect_dma source(%arg7 : memref<80x64xf32, #tpu.memory_space<vmem>>) target(%dma_start3A_70 : memref<10000x64xf32, #tpu.memory_space<vmem_shared>>) offsets(%dma_start3A_67 : memref<80xi32, #tpu.memory_space<vmem>>) semaphore(%run_scoped3A : memref<!tpu.dma_semaphore, #tpu.memory_space<semaphore_mem>>) {add = true}
          %dma_wait3A_71 = arith.constant 0 : i32
          %dma_wait3A_72 = tpu.memref_slice %arg6[%add3A_40, %dma_wait3A_71] : memref<125x80xi32, #tpu.memory_space<vmem>> -> memref<1x80xi32, #tpu.memory_space<vmem>>
          %dma_wait3A_73 = tpu.memref_squeeze %dma_wait3A_72 : memref<1x80xi32, #tpu.memory_space<vmem>> -> memref<80xi32, #tpu.memory_space<vmem>>
          %dma_wait3A_74 = arith.constant 0 : i32
          %dma_wait3A_75 = arith.constant 0 : i32
          %dma_wait3A_76 = tpu.memref_slice %arg5[%dma_wait3A_74, %dma_wait3A_75] : memref<10000x64xf32, #tpu.memory_space<vmem_shared>> -> memref<10000x64xf32, #tpu.memory_space<vmem_shared>>
          tpu.wait_indirect_dma semaphore(%run_scoped3A : memref<!tpu.dma_semaphore, #tpu.memory_space<semaphore_mem>>) src(%arg7 : memref<80x64xf32, #tpu.memory_space<vmem>>) dst(%dma_wait3A_76 : memref<10000x64xf32, #tpu.memory_space<vmem_shared>>)
          tpu.yield
        }) : () -> ()
        %add3A_58 = arith.constant 2 : i32
        %add3A_59 = arith.addi %add3A_40, %add3A_58 : i32
        %lt3A_60 = arith.constant 125 : i32
        %lt3A_61 = arith.cmpi slt, %add3A_59, %lt3A_60 : i32
        %convert_element_type3A_62 = arith.extui %lt3A_61 : i1 to i32
        %cond3A_63 = arith.constant 0 : i32
        %cond3A_64 = arith.cmpi ne, %convert_element_type3A_62, %cond3A_63 : i32
        scf.if %cond3A_64 {
          %add3A_65 = arith.constant 2 : i32
          %add3A_66 = arith.addi %add3A_40, %add3A_65 : i32
          %mul3A_67 = arith.constant 80 : i32
          %mul3A_68 = arith.muli %add3A_66, %mul3A_67 : i32
          %add3A_69 = arith.addi %mul3A_2, %mul3A_68 : i32
          %dma_start3A_70 = arith.constant 0 : i32
          %dma_start3A_71 = tpu.memref_slice %arg2[%add3A_69, %dma_start3A_70] : memref<320000x64xf32, #tpu.memory_space<hbm>> -> memref<80x64xf32, #tpu.memory_space<hbm>>
          %dma_start3A_72 = arith.constant 0 : i32
          %dma_start3A_73 = tpu.memref_slice %arg2[%add3A_69, %dma_start3A_72] : memref<320000x64xf32, #tpu.memory_space<hbm>> -> memref<80x64xf32, #tpu.memory_space<hbm>>
          tpu.enqueue_dma source(%dma_start3A_73 : memref<80x64xf32, #tpu.memory_space<hbm>>) target(%arg7 : memref<80x64xf32, #tpu.memory_space<vmem>>) target_semaphore(%arg10 : memref<!tpu.dma_semaphore, #tpu.memory_space<semaphore_mem>>)
        } else {
        }
      } else {
      }
      %mul3A_43 = arith.constant 2 : i32
      %mul3A_44 = arith.muli %scan3A_36, %mul3A_43 : i32
      %add3A_45 = arith.constant 1 : i32
      %add3A_46 = arith.addi %mul3A_44, %add3A_45 : i32
      %lt3A_47 = arith.constant 125 : i32
      %lt3A_48 = arith.cmpi slt, %add3A_46, %lt3A_47 : i32
      %convert_element_type3A_49 = arith.extui %lt3A_48 : i1 to i32
      %cond3A_50 = arith.constant 0 : i32
      %cond3A_51 = arith.cmpi ne, %convert_element_type3A_49, %cond3A_50 : i32
      scf.if %cond3A_51 {
        %mul3A_52 = arith.constant 80 : i32
        %mul3A_53 = arith.muli %add3A_46, %mul3A_52 : i32
        %add3A_54 = arith.addi %mul3A_2, %mul3A_53 : i32
        %dma_wait3A = arith.constant 0 : i32
        %dma_wait3A_55 = tpu.memref_slice %arg2[%add3A_54, %dma_wait3A] : memref<320000x64xf32, #tpu.memory_space<hbm>> -> memref<80x64xf32, #tpu.memory_space<hbm>>
        %dma_wait3A_56 = arith.constant 0 : i32
        %dma_wait3A_57 = tpu.memref_slice %arg2[%add3A_54, %dma_wait3A_56] : memref<320000x64xf32, #tpu.memory_space<hbm>> -> memref<80x64xf32, #tpu.memory_space<hbm>>
        tpu.wait_dma2 semaphore(%arg11 : memref<!tpu.dma_semaphore, #tpu.memory_space<semaphore_mem>>) src(%dma_wait3A_57 : memref<80x64xf32, #tpu.memory_space<hbm>>) dst(%arg8 : memref<80x64xf32, #tpu.memory_space<vmem>>)
        "tpu.region"() ({
          %run_scoped3A = tpu.sem_alloc : memref<!tpu.dma_semaphore, #tpu.memory_space<semaphore_mem>>
          %dma_start3A_65 = arith.constant 0 : i32
          %dma_start3A_66 = tpu.memref_slice %arg6[%add3A_46, %dma_start3A_65] : memref<125x80xi32, #tpu.memory_space<vmem>> -> memref<1x80xi32, #tpu.memory_space<vmem>>
          %dma_start3A_67 = tpu.memref_squeeze %dma_start3A_66 : memref<1x80xi32, #tpu.memory_space<vmem>> -> memref<80xi32, #tpu.memory_space<vmem>>
          %dma_start3A_68 = arith.constant 0 : i32
          %dma_start3A_69 = arith.constant 0 : i32
          %dma_start3A_70 = tpu.memref_slice %arg5[%dma_start3A_68, %dma_start3A_69] : memref<10000x64xf32, #tpu.memory_space<vmem_shared>> -> memref<10000x64xf32, #tpu.memory_space<vmem_shared>>
          tpu.enqueue_indirect_dma source(%arg8 : memref<80x64xf32, #tpu.memory_space<vmem>>) target(%dma_start3A_70 : memref<10000x64xf32, #tpu.memory_space<vmem_shared>>) offsets(%dma_start3A_67 : memref<80xi32, #tpu.memory_space<vmem>>) semaphore(%run_scoped3A : memref<!tpu.dma_semaphore, #tpu.memory_space<semaphore_mem>>) {add = true}
          %dma_wait3A_71 = arith.constant 0 : i32
          %dma_wait3A_72 = tpu.memref_slice %arg6[%add3A_46, %dma_wait3A_71] : memref<125x80xi32, #tpu.memory_space<vmem>> -> memref<1x80xi32, #tpu.memory_space<vmem>>
          %dma_wait3A_73 = tpu.memref_squeeze %dma_wait3A_72 : memref<1x80xi32, #tpu.memory_space<vmem>> -> memref<80xi32, #tpu.memory_space<vmem>>
          %dma_wait3A_74 = arith.constant 0 : i32
          %dma_wait3A_75 = arith.constant 0 : i32
          %dma_wait3A_76 = tpu.memref_slice %arg5[%dma_wait3A_74, %dma_wait3A_75] : memref<10000x64xf32, #tpu.memory_space<vmem_shared>> -> memref<10000x64xf32, #tpu.memory_space<vmem_shared>>
          tpu.wait_indirect_dma semaphore(%run_scoped3A : memref<!tpu.dma_semaphore, #tpu.memory_space<semaphore_mem>>) src(%arg8 : memref<80x64xf32, #tpu.memory_space<vmem>>) dst(%dma_wait3A_76 : memref<10000x64xf32, #tpu.memory_space<vmem_shared>>)
          tpu.yield
        }) : () -> ()
        %add3A_58 = arith.constant 2 : i32
        %add3A_59 = arith.addi %add3A_46, %add3A_58 : i32
        %lt3A_60 = arith.constant 125 : i32
        %lt3A_61 = arith.cmpi slt, %add3A_59, %lt3A_60 : i32
        %convert_element_type3A_62 = arith.extui %lt3A_61 : i1 to i32
        %cond3A_63 = arith.constant 0 : i32
        %cond3A_64 = arith.cmpi ne, %convert_element_type3A_62, %cond3A_63 : i32
        scf.if %cond3A_64 {
          %add3A_65 = arith.constant 2 : i32
          %add3A_66 = arith.addi %add3A_46, %add3A_65 : i32
          %mul3A_67 = arith.constant 80 : i32
          %mul3A_68 = arith.muli %add3A_66, %mul3A_67 : i32
          %add3A_69 = arith.addi %mul3A_2, %mul3A_68 : i32
          %dma_start3A_70 = arith.constant 0 : i32
          %dma_start3A_71 = tpu.memref_slice %arg2[%add3A_69, %dma_start3A_70] : memref<320000x64xf32, #tpu.memory_space<hbm>> -> memref<80x64xf32, #tpu.memory_space<hbm>>
          %dma_start3A_72 = arith.constant 0 : i32
          %dma_start3A_73 = tpu.memref_slice %arg2[%add3A_69, %dma_start3A_72] : memref<320000x64xf32, #tpu.memory_space<hbm>> -> memref<80x64xf32, #tpu.memory_space<hbm>>
          tpu.enqueue_dma source(%dma_start3A_73 : memref<80x64xf32, #tpu.memory_space<hbm>>) target(%arg8 : memref<80x64xf32, #tpu.memory_space<vmem>>) target_semaphore(%arg11 : memref<!tpu.dma_semaphore, #tpu.memory_space<semaphore_mem>>)
        } else {
        }
      } else {
      }
    }
    %scan3A_27 = arith.constant 63 : i32
    %barrier3A_28 = arith.constant 0 : index
    tpu.barrier barrier_id(%barrier3A_28)
    %mul3A_29 = arith.constant 625 : i32
    %mul3A_30 = arith.muli %arg1, %mul3A_29 : i32
    "tpu.region"() ({
      %run_scoped3A = tpu.sem_alloc : memref<!tpu.dma_semaphore, #tpu.memory_space<semaphore_mem>>
      %dma_start3A_36 = arith.constant 0 : i32
      %dma_start3A_37 = tpu.memref_slice %arg5[%mul3A_30, %dma_start3A_36] : memref<10000x64xf32, #tpu.memory_space<vmem_shared>> -> memref<625x64xf32, #tpu.memory_space<vmem_shared>>
      %dma_start3A_38 = arith.constant 0 : i32
      %dma_start3A_39 = tpu.memref_slice %arg5[%mul3A_30, %dma_start3A_38] : memref<10000x64xf32, #tpu.memory_space<vmem_shared>> -> memref<625x64xf32, #tpu.memory_space<vmem_shared>>
      tpu.enqueue_dma source(%dma_start3A_39 : memref<625x64xf32, #tpu.memory_space<vmem_shared>>) target(%arg9 : memref<625x64xf32, #tpu.memory_space<vmem>>) target_semaphore(%run_scoped3A : memref<!tpu.dma_semaphore, #tpu.memory_space<semaphore_mem>>)
      %dma_wait3A = arith.constant 0 : i32
      %dma_wait3A_40 = tpu.memref_slice %arg5[%mul3A_30, %dma_wait3A] : memref<10000x64xf32, #tpu.memory_space<vmem_shared>> -> memref<625x64xf32, #tpu.memory_space<vmem_shared>>
      %dma_wait3A_41 = arith.constant 0 : i32
      %dma_wait3A_42 = tpu.memref_slice %arg5[%mul3A_30, %dma_wait3A_41] : memref<10000x64xf32, #tpu.memory_space<vmem_shared>> -> memref<625x64xf32, #tpu.memory_space<vmem_shared>>
      tpu.wait_dma2 semaphore(%run_scoped3A : memref<!tpu.dma_semaphore, #tpu.memory_space<semaphore_mem>>) src(%dma_wait3A_42 : memref<625x64xf32, #tpu.memory_space<vmem_shared>>) dst(%arg9 : memref<625x64xf32, #tpu.memory_space<vmem>>)
      tpu.yield
    }) : () -> ()
    %mul3A_31 = arith.constant 10000 : i32
    %mul3A_32 = arith.muli %arg0, %mul3A_31 : i32
    %mul3A_33 = arith.constant 625 : i32
    %mul3A_34 = arith.muli %arg1, %mul3A_33 : i32
    %add3A_35 = arith.addi %mul3A_32, %mul3A_34 : i32
    "tpu.region"() ({
      %run_scoped3A = tpu.sem_alloc : memref<!tpu.dma_semaphore, #tpu.memory_space<semaphore_mem>>
      %dma_start3A_36 = arith.constant 0 : i32
      %dma_start3A_37 = tpu.memref_slice %arg4[%add3A_35, %dma_start3A_36] : memref<20000x64xf32, #tpu.memory_space<hbm>> -> memref<625x64xf32, #tpu.memory_space<hbm>>
      %dma_start3A_38 = arith.constant 0 : i32
      %dma_start3A_39 = tpu.memref_slice %arg4[%add3A_35, %dma_start3A_38] : memref<20000x64xf32, #tpu.memory_space<hbm>> -> memref<625x64xf32, #tpu.memory_space<hbm>>
      tpu.enqueue_dma source(%arg9 : memref<625x64xf32, #tpu.memory_space<vmem>>) target(%dma_start3A_39 : memref<625x64xf32, #tpu.memory_space<hbm>>) target_semaphore(%run_scoped3A : memref<!tpu.dma_semaphore, #tpu.memory_space<semaphore_mem>>)
      %dma_wait3A = arith.constant 0 : i32
      %dma_wait3A_40 = tpu.memref_slice %arg4[%add3A_35, %dma_wait3A] : memref<20000x64xf32, #tpu.memory_space<hbm>> -> memref<625x64xf32, #tpu.memory_space<hbm>>
      %dma_wait3A_41 = arith.constant 0 : i32
      %dma_wait3A_42 = tpu.memref_slice %arg4[%add3A_35, %dma_wait3A_41] : memref<20000x64xf32, #tpu.memory_space<hbm>> -> memref<625x64xf32, #tpu.memory_space<hbm>>
      tpu.wait_dma2 semaphore(%run_scoped3A : memref<!tpu.dma_semaphore, #tpu.memory_space<semaphore_mem>>) src(%arg9 : memref<625x64xf32, #tpu.memory_space<vmem>>) dst(%dma_wait3A_42 : memref<625x64xf32, #tpu.memory_space<hbm>>)
      tpu.yield
    }) : () -> ()
    return
  }
}

module attributes {stable_mosaic.version = 14 : i64} {
  func.func @_xw_body(%arg0: i32, %arg1: memref<200x256xf32, #tpu.memory_space<vmem>>, %arg2: memref<256x128xf32, #tpu.memory_space<vmem>>, %arg3: memref<200x128xf32, #tpu.memory_space<vmem>>) attributes {dimension_semantics = [#tpu.dimension_semantics<arbitrary>], iteration_bounds = array<i64: 25>, scalar_prefetch = 0 : i64, scratch_operands = 0 : i64, tpu.core_type = #tpu.core_type<tc>, window_params = [{transform_indices = @transform_0, window_bounds = array<i64: 200, 256>}, {pipeline_mode = #tpu.pipeline_mode<synchronous>, transform_indices = @transform_1, window_bounds = array<i64: 256, 128>}, {transform_indices = @transform_2, window_bounds = array<i64: 200, 128>}]} {
    %get3A = arith.constant 0 : index
    %get3A_0 = arith.constant 0 : index
    %get3A_1 = vector.load %arg1[%get3A, %get3A_0] : memref<200x256xf32, #tpu.memory_space<vmem>>, vector<200x256xf32>
    %get3A_2 = arith.constant 0 : index
    %get3A_3 = arith.constant 0 : index
    %get3A_4 = vector.load %arg2[%get3A_2, %get3A_3] : memref<256x128xf32, #tpu.memory_space<vmem>>, vector<256x128xf32>
    %dot_general3A = arith.constant dense<0.000000e+00> : vector<200x128xf32>
    %dot_general3A_5 = tpu.matmul %get3A_1, %get3A_4, %dot_general3A {dimension_numbers = #tpu.dot_dimension_numbers<[1], [0], [0], [1], [0, 0, 1, 1], [], []>, transpose_lhs_hint = false} : vector<200x256xf32>, vector<256x128xf32>, vector<200x128xf32> -> vector<200x128xf32>
    %swap3A = arith.constant 0 : index
    %swap3A_6 = arith.constant 0 : index
    %swap3A_7 = vector.load %arg3[%swap3A, %swap3A_6] : memref<200x128xf32, #tpu.memory_space<vmem>>, vector<200x128xf32>
    tpu.vector_store %arg3[%swap3A, %swap3A_6], %dot_general3A_5 {strides = array<i32>} : memref<200x128xf32, #tpu.memory_space<vmem>>, vector<200x128xf32>,
    return
  }
  func.func @transform_0(%arg0: i32) -> (i32, i32) {
    %c0_i32 = arith.constant 0 : i32
    %c0_i32_0 = arith.constant 0 : i32
    return %arg0, %c0_i32 : i32, i32
  }
  func.func @transform_1(%arg0: i32) -> (i32, i32) {
    %c0_i32 = arith.constant 0 : i32
    %c0_i32_0 = arith.constant 0 : i32
    %c0_i32_1 = arith.constant 0 : i32
    return %c0_i32, %c0_i32_0 : i32, i32
  }
  func.func @transform_2(%arg0: i32) -> (i32, i32) {
    %c0_i32 = arith.constant 0 : i32
    %c0_i32_0 = arith.constant 0 : i32
    return %arg0, %c0_i32 : i32, i32
  }
}

module attributes {stable_mosaic.version = 14 : i64} {
  func.func @_xn_body(%arg0: i32, %arg1: memref<200x256xf32, #tpu.memory_space<vmem>>, %arg2: memref<256x256xf32, #tpu.memory_space<vmem>>, %arg3: memref<1x256xf32, #tpu.memory_space<vmem>>, %arg4: memref<200x256xf32, #tpu.memory_space<vmem>>) attributes {dimension_semantics = [#tpu.dimension_semantics<arbitrary>], iteration_bounds = array<i64: 25>, scalar_prefetch = 0 : i64, scratch_operands = 0 : i64, tpu.core_type = #tpu.core_type<tc>, window_params = [{transform_indices = @transform_0, window_bounds = array<i64: 200, 256>}, {pipeline_mode = #tpu.pipeline_mode<synchronous>, transform_indices = @transform_1, window_bounds = array<i64: 256, 256>}, {pipeline_mode = #tpu.pipeline_mode<synchronous>, transform_indices = @transform_2, window_bounds = array<i64: 1, 256>}, {transform_indices = @transform_3, window_bounds = array<i64: 200, 256>}]} {
    %get3A = arith.constant 0 : index
    %get3A_0 = arith.constant 0 : index
    %get3A_1 = vector.load %arg1[%get3A, %get3A_0] : memref<200x256xf32, #tpu.memory_space<vmem>>, vector<200x256xf32>
    %get3A_2 = arith.constant 0 : index
    %get3A_3 = arith.constant 0 : index
    %get3A_4 = vector.load %arg2[%get3A_2, %get3A_3] : memref<256x256xf32, #tpu.memory_space<vmem>>, vector<256x256xf32>
    %dot_general3A = arith.constant dense<0.000000e+00> : vector<200x256xf32>
    %dot_general3A_5 = tpu.matmul %get3A_1, %get3A_4, %dot_general3A {dimension_numbers = #tpu.dot_dimension_numbers<[1], [0], [0], [1], [0, 0, 1, 1], [], []>, transpose_lhs_hint = false} : vector<200x256xf32>, vector<256x256xf32>, vector<200x256xf32> -> vector<200x256xf32>
    %get3A_6 = arith.constant 0 : index
    %get3A_7 = arith.constant 0 : index
    %get3A_8 = vector.load %arg3[%get3A_6, %get3A_7] : memref<1x256xf32, #tpu.memory_space<vmem>>, vector<1x256xf32>
    %add3A = vector.broadcast %get3A_8 : vector<1x256xf32> to vector<200x256xf32>
    %add3A_9 = arith.addf %dot_general3A_5, %add3A : vector<200x256xf32>
    %swap3A = arith.constant 0 : index
    %swap3A_10 = arith.constant 0 : index
    %swap3A_11 = vector.load %arg4[%swap3A, %swap3A_10] : memref<200x256xf32, #tpu.memory_space<vmem>>, vector<200x256xf32>
    tpu.vector_store %arg4[%swap3A, %swap3A_10], %add3A_9 {strides = array<i32>} : memref<200x256xf32, #tpu.memory_space<vmem>>, vector<200x256xf32>,
    return
  }
  func.func @transform_0(%arg0: i32) -> (i32, i32) {
    %c0_i32 = arith.constant 0 : i32
    %c0_i32_0 = arith.constant 0 : i32
    return %arg0, %c0_i32 : i32, i32
  }
  func.func @transform_1(%arg0: i32) -> (i32, i32) {
    %c0_i32 = arith.constant 0 : i32
    %c0_i32_0 = arith.constant 0 : i32
    %c0_i32_1 = arith.constant 0 : i32
    return %c0_i32, %c0_i32_0 : i32, i32
  }
  func.func @transform_2(%arg0: i32) -> (i32, i32) {
    %c0_i32 = arith.constant 0 : i32
    %c0_i32_0 = arith.constant 0 : i32
    %c0_i32_1 = arith.constant 0 : i32
    return %c0_i32, %c0_i32_0 : i32, i32
  }
  func.func @transform_3(%arg0: i32) -> (i32, i32) {
    %c0_i32 = arith.constant 0 : i32
    %c0_i32_0 = arith.constant 0 : i32
    return %arg0, %c0_i32 : i32, i32
  }
}

module attributes {stable_mosaic.version = 14 : i64} {
  func.func @_edge_body(%arg0: i32, %arg1: memref<1000x512xf32, #tpu.memory_space<vmem>>, %arg2: memref<1000x128xf32, #tpu.memory_space<vmem>>, %arg3: memref<32x128xf32, #tpu.memory_space<vmem>>, %arg4: memref<1x128xf32, #tpu.memory_space<vmem>>, %arg5: memref<128x128xf32, #tpu.memory_space<vmem>>, %arg6: memref<1x128xf32, #tpu.memory_space<vmem>>, %arg7: memref<1000x512xf32, #tpu.memory_space<vmem>>) attributes {dimension_semantics = [#tpu.dimension_semantics<arbitrary>], iteration_bounds = array<i64: 40>, scalar_prefetch = 0 : i64, scratch_operands = 0 : i64, tpu.core_type = #tpu.core_type<tc>, window_params = [{transform_indices = @transform_0, window_bounds = array<i64: 1000, 512>}, {transform_indices = @transform_1, window_bounds = array<i64: 1000, 128>}, {pipeline_mode = #tpu.pipeline_mode<synchronous>, transform_indices = @transform_2, window_bounds = array<i64: 32, 128>}, {pipeline_mode = #tpu.pipeline_mode<synchronous>, transform_indices = @transform_3, window_bounds = array<i64: 1, 128>}, {pipeline_mode = #tpu.pipeline_mode<synchronous>, transform_indices = @transform_4, window_bounds = array<i64: 128, 128>}, {pipeline_mode = #tpu.pipeline_mode<synchronous>, transform_indices = @transform_5, window_bounds = array<i64: 1, 128>}, {transform_indices = @transform_6, window_bounds = array<i64: 1000, 512>}]} {
    %get3A = arith.constant 0 : index
    %get3A_0 = arith.constant 0 : index
    %get3A_1 = vector.load %arg1[%get3A, %get3A_0] : memref<1000x512xf32, #tpu.memory_space<vmem>>, vector<1000x512xf32>
    %get3A_2 = arith.constant 0 : index
    %get3A_3 = arith.constant 0 : index
    %get3A_4 = vector.load %arg2[%get3A_2, %get3A_3] : memref<1000x128xf32, #tpu.memory_space<vmem>>, vector<1000x128xf32>
    %slice3A = vector.extract_strided_slice %get3A_1 {offsets = [0, 0], sizes = [1000, 128], strides = [1, 1]} : vector<1000x512xf32> to vector<1000x128xf32>
    %slice3A_5 = vector.extract_strided_slice %get3A_4 {offsets = [0, 0], sizes = [1000, 32], strides = [1, 1]} : vector<1000x128xf32> to vector<1000x32xf32>
    %get3A_6 = arith.constant 0 : index
    %get3A_7 = arith.constant 0 : index
    %get3A_8 = vector.load %arg3[%get3A_6, %get3A_7] : memref<32x128xf32, #tpu.memory_space<vmem>>, vector<32x128xf32>
    %dot_general3A = arith.constant dense<0.000000e+00> : vector<1000x128xf32>
    %dot_general3A_9 = tpu.matmul %slice3A_5, %get3A_8, %dot_general3A {dimension_numbers = #tpu.dot_dimension_numbers<[1], [0], [0], [1], [0, 0, 1, 1], [], []>, transpose_lhs_hint = false} : vector<1000x32xf32>, vector<32x128xf32>, vector<1000x128xf32> -> vector<1000x128xf32>
    %add3A = arith.addf %slice3A, %dot_general3A_9 : vector<1000x128xf32>
    %get3A_10 = arith.constant 0 : index
    %get3A_11 = arith.constant 0 : index
    %get3A_12 = vector.load %arg4[%get3A_10, %get3A_11] : memref<1x128xf32, #tpu.memory_space<vmem>>, vector<1x128xf32>
    %add3A_13 = vector.broadcast %get3A_12 : vector<1x128xf32> to vector<1000x128xf32>
    %add3A_14 = arith.addf %add3A, %add3A_13 : vector<1000x128xf32>
    %max3A = arith.constant 0.000000e+00 : f32
    %max3A_15 = vector.broadcast %max3A : f32 to vector<1000x128xf32>
    %max3A_16 = arith.maximumf %add3A_14, %max3A_15 : vector<1000x128xf32>
    %get3A_17 = arith.constant 0 : index
    %get3A_18 = arith.constant 0 : index
    %get3A_19 = vector.load %arg5[%get3A_17, %get3A_18] : memref<128x128xf32, #tpu.memory_space<vmem>>, vector<128x128xf32>
    %dot_general3A_20 = arith.constant dense<0.000000e+00> : vector<1000x128xf32>
    %dot_general3A_21 = tpu.matmul %max3A_16, %get3A_19, %dot_general3A_20 {dimension_numbers = #tpu.dot_dimension_numbers<[1], [0], [0], [1], [0, 0, 1, 1], [], []>, transpose_lhs_hint = false} : vector<1000x128xf32>, vector<128x128xf32>, vector<1000x128xf32> -> vector<1000x128xf32>
    %get3A_22 = arith.constant 0 : index
    %get3A_23 = arith.constant 0 : index
    %get3A_24 = vector.load %arg6[%get3A_22, %get3A_23] : memref<1x128xf32, #tpu.memory_space<vmem>>, vector<1x128xf32>
    %add3A_25 = vector.broadcast %get3A_24 : vector<1x128xf32> to vector<1000x128xf32>
    %add3A_26 = arith.addf %dot_general3A_21, %add3A_25 : vector<1000x128xf32>
    %max3A_27 = arith.constant 0.000000e+00 : f32
    %max3A_28 = vector.broadcast %max3A_27 : f32 to vector<1000x128xf32>
    %max3A_29 = arith.maximumf %add3A_26, %max3A_28 : vector<1000x128xf32>
    %slice3A_30 = vector.extract_strided_slice %get3A_1 {offsets = [0, 128], sizes = [1000, 128], strides = [1, 1]} : vector<1000x512xf32> to vector<1000x128xf32>
    %slice3A_31 = vector.extract_strided_slice %get3A_4 {offsets = [0, 32], sizes = [1000, 32], strides = [1, 1]} : vector<1000x128xf32> to vector<1000x32xf32>
    %get3A_32 = arith.constant 0 : index
    %get3A_33 = arith.constant 0 : index
    %get3A_34 = vector.load %arg3[%get3A_32, %get3A_33] : memref<32x128xf32, #tpu.memory_space<vmem>>, vector<32x128xf32>
    %dot_general3A_35 = arith.constant dense<0.000000e+00> : vector<1000x128xf32>
    %dot_general3A_36 = tpu.matmul %slice3A_31, %get3A_34, %dot_general3A_35 {dimension_numbers = #tpu.dot_dimension_numbers<[1], [0], [0], [1], [0, 0, 1, 1], [], []>, transpose_lhs_hint = false} : vector<1000x32xf32>, vector<32x128xf32>, vector<1000x128xf32> -> vector<1000x128xf32>
    %add3A_37 = arith.addf %slice3A_30, %dot_general3A_36 : vector<1000x128xf32>
    %get3A_38 = arith.constant 0 : index
    %get3A_39 = arith.constant 0 : index
    %get3A_40 = vector.load %arg4[%get3A_38, %get3A_39] : memref<1x128xf32, #tpu.memory_space<vmem>>, vector<1x128xf32>
    %add3A_41 = vector.broadcast %get3A_40 : vector<1x128xf32> to vector<1000x128xf32>
    %add3A_42 = arith.addf %add3A_37, %add3A_41 : vector<1000x128xf32>
    %max3A_43 = arith.constant 0.000000e+00 : f32
    %max3A_44 = vector.broadcast %max3A_43 : f32 to vector<1000x128xf32>
    %max3A_45 = arith.maximumf %add3A_42, %max3A_44 : vector<1000x128xf32>
    %get3A_46 = arith.constant 0 : index
    %get3A_47 = arith.constant 0 : index
    %get3A_48 = vector.load %arg5[%get3A_46, %get3A_47] : memref<128x128xf32, #tpu.memory_space<vmem>>, vector<128x128xf32>
    %dot_general3A_49 = arith.constant dense<0.000000e+00> : vector<1000x128xf32>
    %dot_general3A_50 = tpu.matmul %max3A_45, %get3A_48, %dot_general3A_49 {dimension_numbers = #tpu.dot_dimension_numbers<[1], [0], [0], [1], [0, 0, 1, 1], [], []>, transpose_lhs_hint = false} : vector<1000x128xf32>, vector<128x128xf32>, vector<1000x128xf32> -> vector<1000x128xf32>
    %get3A_51 = arith.constant 0 : index
    %get3A_52 = arith.constant 0 : index
    %get3A_53 = vector.load %arg6[%get3A_51, %get3A_52] : memref<1x128xf32, #tpu.memory_space<vmem>>, vector<1x128xf32>
    %add3A_54 = vector.broadcast %get3A_53 : vector<1x128xf32> to vector<1000x128xf32>
    %add3A_55 = arith.addf %dot_general3A_50, %add3A_54 : vector<1000x128xf32>
    %max3A_56 = arith.constant 0.000000e+00 : f32
    %max3A_57 = vector.broadcast %max3A_56 : f32 to vector<1000x128xf32>
    %max3A_58 = arith.maximumf %add3A_55, %max3A_57 : vector<1000x128xf32>
    %slice3A_59 = vector.extract_strided_slice %get3A_1 {offsets = [0, 256], sizes = [1000, 128], strides = [1, 1]} : vector<1000x512xf32> to vector<1000x128xf32>
    %slice3A_60 = vector.extract_strided_slice %get3A_4 {offsets = [0, 64], sizes = [1000, 32], strides = [1, 1]} : vector<1000x128xf32> to vector<1000x32xf32>
    %get3A_61 = arith.constant 0 : index
    %get3A_62 = arith.constant 0 : index
    %get3A_63 = vector.load %arg3[%get3A_61, %get3A_62] : memref<32x128xf32, #tpu.memory_space<vmem>>, vector<32x128xf32>
    %dot_general3A_64 = arith.constant dense<0.000000e+00> : vector<1000x128xf32>
    %dot_general3A_65 = tpu.matmul %slice3A_60, %get3A_63, %dot_general3A_64 {dimension_numbers = #tpu.dot_dimension_numbers<[1], [0], [0], [1], [0, 0, 1, 1], [], []>, transpose_lhs_hint = false} : vector<1000x32xf32>, vector<32x128xf32>, vector<1000x128xf32> -> vector<1000x128xf32>
    %add3A_66 = arith.addf %slice3A_59, %dot_general3A_65 : vector<1000x128xf32>
    %get3A_67 = arith.constant 0 : index
    %get3A_68 = arith.constant 0 : index
    %get3A_69 = vector.load %arg4[%get3A_67, %get3A_68] : memref<1x128xf32, #tpu.memory_space<vmem>>, vector<1x128xf32>
    %add3A_70 = vector.broadcast %get3A_69 : vector<1x128xf32> to vector<1000x128xf32>
    %add3A_71 = arith.addf %add3A_66, %add3A_70 : vector<1000x128xf32>
    %max3A_72 = arith.constant 0.000000e+00 : f32
    %max3A_73 = vector.broadcast %max3A_72 : f32 to vector<1000x128xf32>
    %max3A_74 = arith.maximumf %add3A_71, %max3A_73 : vector<1000x128xf32>
    %get3A_75 = arith.constant 0 : index
    %get3A_76 = arith.constant 0 : index
    %get3A_77 = vector.load %arg5[%get3A_75, %get3A_76] : memref<128x128xf32, #tpu.memory_space<vmem>>, vector<128x128xf32>
    %dot_general3A_78 = arith.constant dense<0.000000e+00> : vector<1000x128xf32>
    %dot_general3A_79 = tpu.matmul %max3A_74, %get3A_77, %dot_general3A_78 {dimension_numbers = #tpu.dot_dimension_numbers<[1], [0], [0], [1], [0, 0, 1, 1], [], []>, transpose_lhs_hint = false} : vector<1000x128xf32>, vector<128x128xf32>, vector<1000x128xf32> -> vector<1000x128xf32>
    %get3A_80 = arith.constant 0 : index
    %get3A_81 = arith.constant 0 : index
    %get3A_82 = vector.load %arg6[%get3A_80, %get3A_81] : memref<1x128xf32, #tpu.memory_space<vmem>>, vector<1x128xf32>
    %add3A_83 = vector.broadcast %get3A_82 : vector<1x128xf32> to vector<1000x128xf32>
    %add3A_84 = arith.addf %dot_general3A_79, %add3A_83 : vector<1000x128xf32>
    %max3A_85 = arith.constant 0.000000e+00 : f32
    %max3A_86 = vector.broadcast %max3A_85 : f32 to vector<1000x128xf32>
    %max3A_87 = arith.maximumf %add3A_84, %max3A_86 : vector<1000x128xf32>
    %slice3A_88 = vector.extract_strided_slice %get3A_1 {offsets = [0, 384], sizes = [1000, 128], strides = [1, 1]} : vector<1000x512xf32> to vector<1000x128xf32>
    %slice3A_89 = vector.extract_strided_slice %get3A_4 {offsets = [0, 96], sizes = [1000, 32], strides = [1, 1]} : vector<1000x128xf32> to vector<1000x32xf32>
    %get3A_90 = arith.constant 0 : index
    %get3A_91 = arith.constant 0 : index
    %get3A_92 = vector.load %arg3[%get3A_90, %get3A_91] : memref<32x128xf32, #tpu.memory_space<vmem>>, vector<32x128xf32>
    %dot_general3A_93 = arith.constant dense<0.000000e+00> : vector<1000x128xf32>
    %dot_general3A_94 = tpu.matmul %slice3A_89, %get3A_92, %dot_general3A_93 {dimension_numbers = #tpu.dot_dimension_numbers<[1], [0], [0], [1], [0, 0, 1, 1], [], []>, transpose_lhs_hint = false} : vector<1000x32xf32>, vector<32x128xf32>, vector<1000x128xf32> -> vector<1000x128xf32>
    %add3A_95 = arith.addf %slice3A_88, %dot_general3A_94 : vector<1000x128xf32>
    %get3A_96 = arith.constant 0 : index
    %get3A_97 = arith.constant 0 : index
    %get3A_98 = vector.load %arg4[%get3A_96, %get3A_97] : memref<1x128xf32, #tpu.memory_space<vmem>>, vector<1x128xf32>
    %add3A_99 = vector.broadcast %get3A_98 : vector<1x128xf32> to vector<1000x128xf32>
    %add3A_100 = arith.addf %add3A_95, %add3A_99 : vector<1000x128xf32>
    %max3A_101 = arith.constant 0.000000e+00 : f32
    %max3A_102 = vector.broadcast %max3A_101 : f32 to vector<1000x128xf32>
    %max3A_103 = arith.maximumf %add3A_100, %max3A_102 : vector<1000x128xf32>
    %get3A_104 = arith.constant 0 : index
    %get3A_105 = arith.constant 0 : index
    %get3A_106 = vector.load %arg5[%get3A_104, %get3A_105] : memref<128x128xf32, #tpu.memory_space<vmem>>, vector<128x128xf32>
    %dot_general3A_107 = arith.constant dense<0.000000e+00> : vector<1000x128xf32>
    %dot_general3A_108 = tpu.matmul %max3A_103, %get3A_106, %dot_general3A_107 {dimension_numbers = #tpu.dot_dimension_numbers<[1], [0], [0], [1], [0, 0, 1, 1], [], []>, transpose_lhs_hint = false} : vector<1000x128xf32>, vector<128x128xf32>, vector<1000x128xf32> -> vector<1000x128xf32>
    %get3A_109 = arith.constant 0 : index
    %get3A_110 = arith.constant 0 : index
    %get3A_111 = vector.load %arg6[%get3A_109, %get3A_110] : memref<1x128xf32, #tpu.memory_space<vmem>>, vector<1x128xf32>
    %add3A_112 = vector.broadcast %get3A_111 : vector<1x128xf32> to vector<1000x128xf32>
    %add3A_113 = arith.addf %dot_general3A_108, %add3A_112 : vector<1000x128xf32>
    %max3A_114 = arith.constant 0.000000e+00 : f32
    %max3A_115 = vector.broadcast %max3A_114 : f32 to vector<1000x128xf32>
    %max3A_116 = arith.maximumf %add3A_113, %max3A_115 : vector<1000x128xf32>
    %concatenate3A = tpu.concatenate %max3A_29, %max3A_58, %max3A_87, %max3A_116 in 1 : vector<1000x128xf32>, vector<1000x128xf32>, vector<1000x128xf32>, vector<1000x128xf32> -> vector<1000x512xf32>
    %swap3A = arith.constant 0 : index
    %swap3A_117 = arith.constant 0 : index
    %swap3A_118 = vector.load %arg7[%swap3A, %swap3A_117] : memref<1000x512xf32, #tpu.memory_space<vmem>>, vector<1000x512xf32>
    tpu.vector_store %arg7[%swap3A, %swap3A_117], %concatenate3A {strides = array<i32>} : memref<1000x512xf32, #tpu.memory_space<vmem>>, vector<1000x512xf32>,
    return
  }
  func.func @transform_0(%arg0: i32) -> (i32, i32) {
    %c0_i32 = arith.constant 0 : i32
    %c0_i32_0 = arith.constant 0 : i32
    return %arg0, %c0_i32 : i32, i32
  }
  func.func @transform_1(%arg0: i32) -> (i32, i32) {
    %c0_i32 = arith.constant 0 : i32
    %c0_i32_0 = arith.constant 0 : i32
    return %arg0, %c0_i32 : i32, i32
  }
  func.func @transform_2(%arg0: i32) -> (i32, i32) {
    %c0_i32 = arith.constant 0 : i32
    %c0_i32_0 = arith.constant 0 : i32
    %c0_i32_1 = arith.constant 0 : i32
    return %c0_i32, %c0_i32_0 : i32, i32
  }
  func.func @transform_3(%arg0: i32) -> (i32, i32) {
    %c0_i32 = arith.constant 0 : i32
    %c0_i32_0 = arith.constant 0 : i32
    %c0_i32_1 = arith.constant 0 : i32
    return %c0_i32, %c0_i32_0 : i32, i32
  }
  func.func @transform_4(%arg0: i32) -> (i32, i32) {
    %c0_i32 = arith.constant 0 : i32
    %c0_i32_0 = arith.constant 0 : i32
    %c0_i32_1 = arith.constant 0 : i32
    return %c0_i32, %c0_i32_0 : i32, i32
  }
  func.func @transform_5(%arg0: i32) -> (i32, i32) {
    %c0_i32 = arith.constant 0 : i32
    %c0_i32_0 = arith.constant 0 : i32
    %c0_i32_1 = arith.constant 0 : i32
    return %c0_i32, %c0_i32_0 : i32, i32
  }
  func.func @transform_6(%arg0: i32) -> (i32, i32) {
    %c0_i32 = arith.constant 0 : i32
    %c0_i32_0 = arith.constant 0 : i32
    return %arg0, %c0_i32 : i32, i32
  }
}

module attributes {stable_mosaic.version = 14 : i64} {
  func.func @_node_body(%arg0: i32, %arg1: memref<200x256xf32, #tpu.memory_space<vmem>>, %arg2: memref<200x256xf32, #tpu.memory_space<vmem>>, %arg3: memref<200x128xf32, #tpu.memory_space<vmem>>, %arg4: memref<200x128xf32, #tpu.memory_space<vmem>>, %arg5: memref<128x256xf32, #tpu.memory_space<vmem>>, %arg6: memref<1x256xf32, #tpu.memory_space<vmem>>, %arg7: memref<1x256xf32, #tpu.memory_space<vmem>>, %arg8: memref<200x256xf32, #tpu.memory_space<vmem>>) attributes {dimension_semantics = [#tpu.dimension_semantics<arbitrary>], iteration_bounds = array<i64: 25>, scalar_prefetch = 0 : i64, scratch_operands = 0 : i64, tpu.core_type = #tpu.core_type<tc>, window_params = [{transform_indices = @transform_0, window_bounds = array<i64: 200, 256>}, {transform_indices = @transform_1, window_bounds = array<i64: 200, 256>}, {transform_indices = @transform_2, window_bounds = array<i64: 200, 128>}, {transform_indices = @transform_3, window_bounds = array<i64: 200, 128>}, {pipeline_mode = #tpu.pipeline_mode<synchronous>, transform_indices = @transform_4, window_bounds = array<i64: 128, 256>}, {pipeline_mode = #tpu.pipeline_mode<synchronous>, transform_indices = @transform_5, window_bounds = array<i64: 1, 256>}, {pipeline_mode = #tpu.pipeline_mode<synchronous>, transform_indices = @transform_6, window_bounds = array<i64: 1, 256>}, {transform_indices = @transform_7, window_bounds = array<i64: 200, 256>}]} {
    %get3A = arith.constant 0 : index
    %get3A_0 = arith.constant 0 : index
    %get3A_1 = vector.load %arg3[%get3A, %get3A_0] : memref<200x128xf32, #tpu.memory_space<vmem>>, vector<200x128xf32>
    %get3A_2 = arith.constant 0 : index
    %get3A_3 = arith.constant 0 : index
    %get3A_4 = vector.load %arg4[%get3A_2, %get3A_3] : memref<200x128xf32, #tpu.memory_space<vmem>>, vector<200x128xf32>
    %add3A = arith.addf %get3A_1, %get3A_4 : vector<200x128xf32>
    %get3A_5 = arith.constant 0 : index
    %get3A_6 = arith.constant 0 : index
    %get3A_7 = vector.load %arg2[%get3A_5, %get3A_6] : memref<200x256xf32, #tpu.memory_space<vmem>>, vector<200x256xf32>
    %get3A_8 = arith.constant 0 : index
    %get3A_9 = arith.constant 0 : index
    %get3A_10 = vector.load %arg5[%get3A_8, %get3A_9] : memref<128x256xf32, #tpu.memory_space<vmem>>, vector<128x256xf32>
    %dot_general3A = arith.constant dense<0.000000e+00> : vector<200x256xf32>
    %dot_general3A_11 = tpu.matmul %add3A, %get3A_10, %dot_general3A {dimension_numbers = #tpu.dot_dimension_numbers<[1], [0], [0], [1], [0, 0, 1, 1], [], []>, transpose_lhs_hint = false} : vector<200x128xf32>, vector<128x256xf32>, vector<200x256xf32> -> vector<200x256xf32>
    %add3A_12 = arith.addf %get3A_7, %dot_general3A_11 : vector<200x256xf32>
    %max3A = arith.constant 0.000000e+00 : f32
    %max3A_13 = vector.broadcast %max3A : f32 to vector<200x256xf32>
    %max3A_14 = arith.maximumf %add3A_12, %max3A_13 : vector<200x256xf32>
    %get3A_15 = arith.constant 0 : index
    %get3A_16 = arith.constant 0 : index
    %get3A_17 = vector.load %arg1[%get3A_15, %get3A_16] : memref<200x256xf32, #tpu.memory_space<vmem>>, vector<200x256xf32>
    %add3A_18 = arith.addf %max3A_14, %get3A_17 : vector<200x256xf32>
    %slice3A = vector.extract_strided_slice %add3A_18 {offsets = [0, 0], sizes = [200, 128], strides = [1, 1]} : vector<200x256xf32> to vector<200x128xf32>
    %slice3A_19 = vector.extract_strided_slice %add3A_18 {offsets = [0, 128], sizes = [200, 128], strides = [1, 1]} : vector<200x256xf32> to vector<200x128xf32>
    %reduce_sum3A = arith.constant dense<0.000000e+00> : vector<200xf32>
    %reduce_sum3A_20 = vector.multi_reduction <add>, %slice3A, %reduce_sum3A [1] : vector<200x128xf32> to vector<200xf32>
    %broadcast_in_dim3A = vector.shape_cast %reduce_sum3A_20 : vector<200xf32> to vector<200x1xf32>
    %div3A = arith.constant 1.280000e+02 : f32
    %div3A_21 = vector.broadcast %div3A : f32 to vector<200x1xf32>
    %div3A_22 = arith.divf %broadcast_in_dim3A, %div3A_21 : vector<200x1xf32>
    %reduce_sum3A_23 = arith.constant dense<0.000000e+00> : vector<200xf32>
    %reduce_sum3A_24 = vector.multi_reduction <add>, %slice3A_19, %reduce_sum3A_23 [1] : vector<200x128xf32> to vector<200xf32>
    %broadcast_in_dim3A_25 = vector.shape_cast %reduce_sum3A_24 : vector<200xf32> to vector<200x1xf32>
    %div3A_26 = arith.constant 1.280000e+02 : f32
    %div3A_27 = vector.broadcast %div3A_26 : f32 to vector<200x1xf32>
    %div3A_28 = arith.divf %broadcast_in_dim3A_25, %div3A_27 : vector<200x1xf32>
    %sub3A = vector.broadcast %div3A_22 : vector<200x1xf32> to vector<200x128xf32>
    %sub3A_29 = arith.subf %slice3A, %sub3A : vector<200x128xf32>
    %integer_pow3A = arith.mulf %sub3A_29, %sub3A_29 : vector<200x128xf32>
    %reduce_sum3A_30 = arith.constant dense<0.000000e+00> : vector<200xf32>
    %reduce_sum3A_31 = vector.multi_reduction <add>, %integer_pow3A, %reduce_sum3A_30 [1] : vector<200x128xf32> to vector<200xf32>
    %broadcast_in_dim3A_32 = vector.shape_cast %reduce_sum3A_31 : vector<200xf32> to vector<200x1xf32>
    %div3A_33 = arith.constant 1.280000e+02 : f32
    %div3A_34 = vector.broadcast %div3A_33 : f32 to vector<200x1xf32>
    %div3A_35 = arith.divf %broadcast_in_dim3A_32, %div3A_34 : vector<200x1xf32>
    %sub3A_36 = vector.broadcast %div3A_28 : vector<200x1xf32> to vector<200x128xf32>
    %sub3A_37 = arith.subf %slice3A_19, %sub3A_36 : vector<200x128xf32>
    %integer_pow3A_38 = arith.mulf %sub3A_37, %sub3A_37 : vector<200x128xf32>
    %reduce_sum3A_39 = arith.constant dense<0.000000e+00> : vector<200xf32>
    %reduce_sum3A_40 = vector.multi_reduction <add>, %integer_pow3A_38, %reduce_sum3A_39 [1] : vector<200x128xf32> to vector<200xf32>
    %broadcast_in_dim3A_41 = vector.shape_cast %reduce_sum3A_40 : vector<200xf32> to vector<200x1xf32>
    %div3A_42 = arith.constant 1.280000e+02 : f32
    %div3A_43 = vector.broadcast %div3A_42 : f32 to vector<200x1xf32>
    %div3A_44 = arith.divf %broadcast_in_dim3A_41, %div3A_43 : vector<200x1xf32>
    %sub3A_45 = vector.broadcast %div3A_22 : vector<200x1xf32> to vector<200x128xf32>
    %sub3A_46 = arith.subf %slice3A, %sub3A_45 : vector<200x128xf32>
    %add3A_47 = arith.constant 9.99999974E-6 : f32
    %add3A_48 = vector.broadcast %add3A_47 : f32 to vector<200x1xf32>
    %add3A_49 = arith.addf %div3A_35, %add3A_48 : vector<200x1xf32>
    %sqrt3A = math.sqrt %add3A_49 : vector<200x1xf32>
    %div3A_50 = vector.broadcast %sqrt3A : vector<200x1xf32> to vector<200x128xf32>
    %div3A_51 = arith.divf %sub3A_46, %div3A_50 : vector<200x128xf32>
    %sub3A_52 = vector.broadcast %div3A_28 : vector<200x1xf32> to vector<200x128xf32>
    %sub3A_53 = arith.subf %slice3A_19, %sub3A_52 : vector<200x128xf32>
    %add3A_54 = arith.constant 9.99999974E-6 : f32
    %add3A_55 = vector.broadcast %add3A_54 : f32 to vector<200x1xf32>
    %add3A_56 = arith.addf %div3A_44, %add3A_55 : vector<200x1xf32>
    %sqrt3A_57 = math.sqrt %add3A_56 : vector<200x1xf32>
    %div3A_58 = vector.broadcast %sqrt3A_57 : vector<200x1xf32> to vector<200x128xf32>
    %div3A_59 = arith.divf %sub3A_53, %div3A_58 : vector<200x128xf32>
    %concatenate3A = tpu.concatenate %div3A_51, %div3A_59 in 1 : vector<200x128xf32>, vector<200x128xf32> -> vector<200x256xf32>
    %get3A_60 = arith.constant 0 : index
    %get3A_61 = arith.constant 0 : index
    %get3A_62 = vector.load %arg6[%get3A_60, %get3A_61] : memref<1x256xf32, #tpu.memory_space<vmem>>, vector<1x256xf32>
    %mul3A = vector.broadcast %get3A_62 : vector<1x256xf32> to vector<200x256xf32>
    %mul3A_63 = arith.mulf %concatenate3A, %mul3A : vector<200x256xf32>
    %get3A_64 = arith.constant 0 : index
    %get3A_65 = arith.constant 0 : index
    %get3A_66 = vector.load %arg7[%get3A_64, %get3A_65] : memref<1x256xf32, #tpu.memory_space<vmem>>, vector<1x256xf32>
    %add3A_67 = vector.broadcast %get3A_66 : vector<1x256xf32> to vector<200x256xf32>
    %add3A_68 = arith.addf %mul3A_63, %add3A_67 : vector<200x256xf32>
    %swap3A = arith.constant 0 : index
    %swap3A_69 = arith.constant 0 : index
    %swap3A_70 = vector.load %arg8[%swap3A, %swap3A_69] : memref<200x256xf32, #tpu.memory_space<vmem>>, vector<200x256xf32>
    tpu.vector_store %arg8[%swap3A, %swap3A_69], %add3A_68 {strides = array<i32>} : memref<200x256xf32, #tpu.memory_space<vmem>>, vector<200x256xf32>,
    return
  }
  func.func @transform_0(%arg0: i32) -> (i32, i32) {
    %c0_i32 = arith.constant 0 : i32
    %c0_i32_0 = arith.constant 0 : i32
    return %arg0, %c0_i32 : i32, i32
  }
  func.func @transform_1(%arg0: i32) -> (i32, i32) {
    %c0_i32 = arith.constant 0 : i32
    %c0_i32_0 = arith.constant 0 : i32
    return %arg0, %c0_i32 : i32, i32
  }
  func.func @transform_2(%arg0: i32) -> (i32, i32) {
    %c0_i32 = arith.constant 0 : i32
    %c0_i32_0 = arith.constant 0 : i32
    return %arg0, %c0_i32 : i32, i32
  }
  func.func @transform_3(%arg0: i32) -> (i32, i32) {
    %add3A = arith.constant 25 : i32
    %add3A_0 = arith.addi %arg0, %add3A : i32
    %c0_i32 = arith.constant 0 : i32
    %c0_i32_1 = arith.constant 0 : i32
    return %add3A_0, %c0_i32 : i32, i32
  }
  func.func @transform_4(%arg0: i32) -> (i32, i32) {
    %c0_i32 = arith.constant 0 : i32
    %c0_i32_0 = arith.constant 0 : i32
    %c0_i32_1 = arith.constant 0 : i32
    return %c0_i32, %c0_i32_0 : i32, i32
  }
  func.func @transform_5(%arg0: i32) -> (i32, i32) {
    %c0_i32 = arith.constant 0 : i32
    %c0_i32_0 = arith.constant 0 : i32
    %c0_i32_1 = arith.constant 0 : i32
    return %c0_i32, %c0_i32_0 : i32, i32
  }
  func.func @transform_6(%arg0: i32) -> (i32, i32) {
    %c0_i32 = arith.constant 0 : i32
    %c0_i32_0 = arith.constant 0 : i32
    %c0_i32_1 = arith.constant 0 : i32
    return %c0_i32, %c0_i32_0 : i32, i32
  }
  func.func @transform_7(%arg0: i32) -> (i32, i32) {
    %c0_i32 = arith.constant 0 : i32
    %c0_i32_0 = arith.constant 0 : i32
    return %arg0, %c0_i32 : i32, i32
  }
}

</mosaic_0001>

<sc_bundles>
// kernel: kernel.11.cloned.1.call-start
scs
__scs_entry_jumppad:
0x0: {  	(pc) =	sbr.rel $0x88, $3  }
0x1: {  	(tag) =	ssettag $0x0;
	lr =	simm.s32 $0x1  }
0x2: {  	[smem:$0x3F96] =	sst lr;
	_ =	strace $0xD0000000  }
0x3: {  	_ = 	snop  }
0x4: {  	_ = 	snop  }
0x5: {  	_ = 	snop  }
0x6: {  	_ = 	snop  }
0x7: {  	_ = 	snop  }
__scs_overlays_trampoline_lowered:
0x8: {  	[smem:$0x3FA5] =	sst s0  }
0x9: {  	[smem:$0x3FA6] =	sst s1  }
0xa: {  	[smem:$0x3FA7] =	sst s2  }
0xb: {  	[smem:$0x3FA8] =	sst s3  }
0xc: {  	[smem:$0x3FA9] =	sst s4  }
0xd: {  	[smem:$0x3FAA] =	sst s5  }
0xe: {  	[smem:$0x3FAB] =	sst s6  }
0xf: {  	[smem:$0x3FAC] =	sst s7  }
0x10: {  	[smem:$0x3FAD] =	sst s8  }
0x11: {  	[smem:$0x3FAE] =	sst s9;
	s0 =	simm.s32 @!p0 $0x0  }
0x12: {  	s1 =	sld [smem:$0x3F94];
	s0 =	simm.s32 @p0 $0x1  }
0x13: {  	[smem:$0x3FAF] =	sst s0;
	s0 =	simm.s32 @!p1 $0x0  }
0x14: {  	s2 =	sld [smem:$0x3F93];
	s0 =	simm.s32 @p1 $0x1  }
0x15: {  	[smem:$0x3FB0] =	sst s0;
	s0 =	simm.s32 @!p2 $0x0  }
0x16: {  	s3 =	sld [smem:$0x3FDB];
	s0 =	simm.s32 @p2 $0x1  }
0x17: {  	s4 =	simm.s32 $0x1BF5;
	[smem:$0x3FB2] =	sst s0  }
0x18: {  	s0 =	sld [smem:$0x3F95];
	_ =	swait.ge [sflag:s4], $0x0  }
0x19: {  	s7 =	sld [smem:$0x3F96]  }
0x1a: {  	s8 =	sadd.s32 $0xFFFFE003, lr  }
0x1b: {  	s9 =	sadd.s32 $0xFFFFFEF7, lr;
	s5 =	simm.s32 $0xFFFFFFFF;
	p2 =	slt.u32 s8, $0xFFFFF086  }
0x1c: {  	p1 =	slt.u32 s9, $0xF7A;
	s5 =	simm.s32 @!p2 $0x0  }
0x1d: {  	s5 =	simm.s32 @p1 $0x1;
	p0 =	seq.s32 s7, s2  }
0x1e: {  	s7 =	smul.u32 @!p0 $0xF7A, s2;
	p2 =	seq.s32 @!p0 s5, $0x0  }
0x1f: {  	s9 =	smul.u32 $0xF7A, s1;
	s8 =	simm.s32 @!p0 $0x1BF5;
	p2 =	por !p2, p0  }
0x20: {  	[sflag:s8] =	ssyncset.s32 @!p0 $0xFFFFF086;
	s6 =	sadd.s32 @!p0 s3, s7;
	s7 =	simm.s32 @!p0 $0x108  }
0x21: {  	s3 =	sadd.s32 s3, s9;
	s6 =	sadd.s32 @!p0 $0x88, s6;
	s7 =	simm.s32 @p2 $0x1082  }
0x22: {  	[simem:s7], [sflag:s8] =	dma.local @!p0 [hbm:s6], $0xF7A  }
0x23: {  	s9 =	sor.u32 $0xD0000000, s2;
	s6 =	simm.s32 $0x108;
	_ =	swait.ge @!p0 [sflag:s8], $0x0  }
0x24: {  	s3 =	sadd.s32 $0x88, s3;
	s6 =	simm.s32 @!p1 $0x1082;
	[sflag:s4] =	ssyncset.s32 $0xFFFFF086  }
0x25: {  	[simem:s6], [sflag:s4] =	dma.local [hbm:s3], $0xF7A  }
0x26: {  	[smem:$0x3F96] =	sst s1;
	(tag) =	ssettag s2;
	_ =	strace s9  }
0x27: {  	s1 =	sld [smem:$0x3FA6]  }
0x28: {  	s2 =	sld [smem:$0x3FA7]  }
0x29: {  	s4 =	sld [smem:$0x3FA9]  }
0x2a: {  	p0 =	seq.s32 s5, $0x0;
	s5 =	sld [smem:$0x3FAA]  }
0x2b: {  	s6 =	sld [smem:$0x3FAB]  }
0x2c: {  	s7 =	sld [smem:$0x3FAC]  }
0x2d: {  	s3 =	simm.s32 $0x108;
	s8 =	sld [smem:$0x3FAD]  }
0x2e: {  	s3 =	simm.s32 @!p0 $0x1082;
	s9 =	sld [smem:$0x3FAE]  }
0x2f: {  	lr =	sadd.s32 s0, s3;
	s0 =	sld [smem:$0x3FA5]  }
0x30: {  	s3 =	sld [smem:$0x3FA8]  }
0x31: {  	[smem:$0x3FB1] =	sst s10  }
0x32: {  	s10 =	sld [smem:$0x3FAF];
	_ =	sdelay $0x3  }
0x33: {  	p0 =	seq.s32 s10, $0x1;
	s10 =	sld [smem:$0x3FB1];
	_ =	sdelay $0x3  }
0x34: {  	[smem:$0x3FB1] =	sst s10  }
0x35: {  	s10 =	sld [smem:$0x3FB0];
	_ =	sdelay $0x3  }
0x36: {  	p1 =	seq.s32 s10, $0x1;
	s10 =	sld [smem:$0x3FB1];
	_ =	sdelay $0x3  }
0x37: {  	[smem:$0x3FB1] =	sst s10  }
0x38: {  	s10 =	sld [smem:$0x3FB2]  }
0x39: {  	_ = 	snop;
	(pc) =	sbr.ind lr, $3  }
0x3a: {  	_ = 	snop  }
0x3b: {  	_ = 	snop  }
0x3c: {  	p2 =	seq.s32 s10, $0x1;
	s10 =	sld [smem:$0x3FB1]  }
0x3d: {  	_ =	shalt  }
0x3e: {  	_ =	shalt  }
0x3f: {  	_ =	shalt  }
0x40: {  	_ =	shalt  }
0x41: {  	_ =	shalt  }
0x42: {  	_ =	shalt  }
0x43: {  	_ =	shalt  }
0x44: {  	_ =	shalt  }
0x45: {  	_ =	shalt  }
0x46: {  	_ =	shalt  }
0x47: {  	_ =	shalt  }
0x48: {  	_ =	shalt  }
0x49: {  	_ =	shalt  }
0x4a: {  	_ =	shalt  }
0x4b: {  	_ =	shalt  }
0x4c: {  	_ =	shalt  }
0x4d: {  	_ =	shalt  }
0x4e: {  	_ =	shalt  }
0x4f: {  	_ =	shalt  }
0x50: {  	_ =	shalt  }
0x51: {  	_ =	shalt  }
0x52: {  	_ =	shalt  }
0x53: {  	_ =	shalt  }
0x54: {  	_ =	shalt  }
0x55: {  	_ =	shalt  }
0x56: {  	_ =	shalt  }
0x57: {  	_ =	shalt  }
0x58: {  	_ =	shalt  }
0x59: {  	_ =	shalt  }
0x5a: {  	_ =	shalt  }
0x5b: {  	_ =	shalt  }
0x5c: {  	_ =	shalt  }
0x5d: {  	_ =	shalt  }
0x5e: {  	_ =	shalt  }
0x5f: {  	_ =	shalt  }
0x60: {  	_ =	shalt  }
0x61: {  	_ =	shalt  }
0x62: {  	_ =	shalt  }
0x63: {  	_ =	shalt  }
0x64: {  	_ =	shalt  }
0x65: {  	_ =	shalt  }
0x66: {  	_ =	shalt  }
0x67: {  	_ =	shalt  }
0x68: {  	_ =	shalt  }
0x69: {  	_ =	shalt  }
0x6a: {  	_ =	shalt  }
0x6b: {  	_ =	shalt  }
0x6c: {  	_ =	shalt  }
0x6d: {  	_ =	shalt  }
0x6e: {  	_ =	shalt  }
0x6f: {  	_ =	shalt  }
0x70: {  	_ =	shalt  }
0x71: {  	_ =	shalt  }
0x72: {  	_ =	shalt  }
0x73: {  	_ =	shalt  }
0x74: {  	_ =	shalt  }
0x75: {  	_ =	shalt  }
0x76: {  	_ =	shalt  }
0x77: {  	_ =	shalt  }
0x78: {  	_ =	shalt  }
0x79: {  	_ =	shalt  }
0x7a: {  	_ =	shalt  }
0x7b: {  	_ =	shalt  }
0x7c: {  	_ =	shalt  }
0x7d: {  	_ =	shalt  }
0x7e: {  	_ =	shalt  }
0x7f: {  	_ =	shalt  }
0x80: {  	_ =	shalt  }
0x81: {  	_ =	shalt  }
0x82: {  	_ =	shalt  }
0x83: {  	_ =	shalt  }
0x84: {  	_ =	shalt  }
0x85: {  	_ =	shalt  }
0x86: {  	_ =	shalt  }
0x87: {  	_ =	shalt  }
.Lfunc_end0:
.L_simem_size_0:
called_computation.2_lowered:
.L_overlay_start_0:
0x88: {  	s2 =	sld [smem:$0x3FD9]  }
0x89: {  	s3 =	sld [smem:$0x3FFE];
	_ =	sdelay $0x1  }
0x8a: {  	s1 =	srdreg.scid  }
0x8b: {  	s0 =	sand.u32 $0x1, s1  }
0x8c: {  	s16 =	sshll.u32 s0, $0xA;
	s2 =	sadd.s32 s3, s2  }
0x8d: {  	s2 =	sadd.s32 s2, s16  }
0x8e: {  	[smem:$0x3FBD] =	sst s2  }
0x8f: {  	_ = 	snop  }
0x90: {  	(tm) =	ssettm $0x1  }
0x91: {  	s17 =	sld [smem:$0x3FFB];
	_ =	sdelay $0x3  }
0x92: {  	_ =	strace s17  }
0x93: {  	s2 =	sld [smem:$0x3FFC];
	_ =	sdelay $0x3  }
0x94: {  	_ =	strace s2  }
0x95: {  	s2 =	sld [smem:$0x3FFD];
	_ =	sdelay $0x3  }
0x96: {  	_ =	strace s2  }
0x97: {  	_ =	strace $0x8FFFFFFF  }
0x98: {  	s18 =	sld [smem:$0x3FDB];
	_ =	sdelay $0x1  }
0x99: {  	s19 =	simm.s32 $_scs_section_size  }
0x9a: {  	s4 =	simm.s32 $_size__tile_overlayer_lowered;
	s5 =	simm.s32 $_tile_overlayer_lowered  }
0x9b: {  	s22 =	simm.s32 $0x1BFF;
	s21 =	sshll.u32 s5, $0x1;
	s2 =	sadd.s32 s19, s18  }
0x9c: {  	s6 =	simm.s32 $0x0;
	s20 =	sshll.u32 s4, $0x1;
	s4 =	sadd.s32 s21, s2  }
0x9d: {  	[timem:s6], [sflag:s22] =	dma.local [hbm:s4], s20  }
0x9e: {  	_ =	swait.ge [sflag:s22], s20  }
0x9f: {  	s3 =	ssub.s32 $0x0, s20;
	[sflag:s22] =	ssyncset.done $0x0  }
0xa0: {  	[sflag:s22] =	ssyncadd.s32 s3;
	_ =	sdelay $0x1  }
0xa1: {  	s23 =	simm.s32 $0x1B8B  }
0xa2: {  	_ =	swait.ge [sflag:s23], $0x1  }
0xa3: {  	[sflag:s23] =	ssyncset.done $0x0  }
0xa4: {  	s25 =	simm.s32 $0x1B8E;
	s24 =	sld [smem:$0x3FFE];
	[sflag:s23] =	ssyncadd.s32 $0xFFFFFFFF  }
0xa5: {  	s26 =	simm.s32 $execute0_lowered;
	[smem:$0x3FD2] =	sst s25  }
0xa6: {  	s4 =	sshll.u32 s26, $0x1;
	_ =	strace $0x8000004C;
	[dreg:$0x1] =	wrdreg $0xFFFFFFFF  }
0xa7: {  	s28 =	simm.s32 $_size_execute0_lowered;
	s2 =	sadd.s32 s2, s4;
	[dreg:$0x0] =	wrdreg $0x0  }
0xa8: {  	s4 =	sshll.u32 s28, $0x1;
	[dreg:$0x2] =	wrdreg s2  }
0xa9: {  	[dreg:$0x3] =	wrdreg s4  }
0xaa: {  	[dreg:$0x4] =	wrdreg $0xC0  }
0xab: {  	_ =	task [dreg:s6], $0x5FFFF  }
0xac: {  	[dreg:$0x1] =	wrdreg $0xFFFFFFFF  }
0xad: {  	[dreg:$0x0] =	wrdreg $0x60  }
0xae: {  	[dreg:$0x2] =	wrdreg s24  }
0xaf: {  	[dreg:$0x3] =	wrdreg $0x0  }
0xb0: {  	[dreg:$0x4] =	wrdreg $0x9  }
0xb1: {  	_ =	task.clear_ibuf [dreg:s6], $0x5FFFF;
	_ =	strace $0x9000004C  }
0xb2: {  	s29 =	simm.s32 $0x9;
	_ =	strace $0x8000004E  }
0xb3: {  	_ =	swait.ge [sflag:s29], $0x1  }
0xb4: {  	[sflag:s29] =	ssyncadd.s32 $0xFFFFFFFF  }
0xb5: {  	_ =	strace $0x9000004E  }
0xb6: {  	_ =	sfence  }
0xb7: {  	s30 =	sld [smem:$0x0];
	_ =	sdelay $0x2  }
0xb8: {  	s31 =	sshll.u32 s1, $0xD;
	s1 =	sshrl.u32 s1, $0x2  }
0xb9: {  	s3 =	sand.u32 $0x4000, s31;
	s1 =	sadd.s32 s1, s30  }
0xba: {  	s0 =	sor.u32 s3, s0;
	s1 =	sshll.u32 s1, $0x11  }
0xbb: {  	s0 =	sor.u32 s1, s0  }
0xbc: {  	s0 =	sadd.s32 $0x8F2B, s0  }
0xbd: {  	[sflag:s0] =	ssyncadd.remote.s32 $0x1  }
0xbe: {  	_ =	sfence.sel $0xFFFF  }
0xbf: {  	[dreg:$0x0] =	wrdreg $0xFFFFFFFF;
	(pc) =	sbr.abs _section_cstart, $3  }
0xc0: {  	[dreg:$0x1] =	wrdreg $0xFFFFFFFF  }
0xc1: {  	_ =	task.clear_ibuf [dreg:s6], $0x2FFFF;
	_ =	strace $0x9FFFFFFF  }
0xc2: {  	(tm) =	ssettm $0x7FFFFFFF  }
0xc3: {  	_ =	shalt  }
tec
execute0_lowered:
.L_overlay_start_1:
0x0: {  	(tag) =	ssettag $0x1  }
0x1: {  	s1 =	srdreg.scid;
	s5 =	rddreg [dreg:$0x0]  }
0x2: {  	s0 =	stileid.u32;
	s2 =	rddreg [dreg:$0x1]  }
0x3: {  	s3 =	simm.s32 $0x0;
	s14 =	simm.s32 $0x3;
	s15 =	simm.s32 $0xEB50  }
0x4: {  	s16 =	simm.s32 $0xC350;
	s17 =	simm.s32 $0xD750;
	s8 =	smul.u32 $0x1388, s0  }
0x5: {  	s18 =	simm.s32 $0x1;
	s19 =	simm.s32 $0x50;
	s10 =	smul.u32 $0x27100, s0  }
0x6: {  	s20 =	simm.s32 $0x2;
	s4 =	sand.u32 $0x1, s1;
	s13 =	smul.u32 $0x4E20, s0  }
0x7: {  	s21 =	simm.s32 $0xC300;
	s24 =	sshll.u32 s0, $0x1;
	s9 =	smul.u32 $0x13880, s4  }
0x8: {  	s1 =	rddreg [dreg:$0x2];
	s6 =	sor.u32 s4, s24;
	s29 =	smul.u32 $0x2710, s4  }
0x9: {  	s22 =	simm.s32 $0x0;
	[smem:$0x7FF] =	sst s3;
	s7 =	smul.u32 $0x2710, s6  }
0xa: {  	s11 =	sadd.s32 $0x288A00, s5;
	s25 =	ssub.s32 $0x2, s4;
	s12 =	smul.u32 $0x13880, s6  }
0xb: {  	_ =	strace $0x8000004D;
	s6 =	smul.u32 $0x9C400, s6;
	s26 =	sshrl.u32 s25, $0x1  }
0xc: {  	s28 =	sshrl.u32 s10, $0x2;
	s8 =	sadd.s32 s8, s9;
	s9 =	ssub.s32 s25, s26  }
0xd: {  	s10 =	sadd.s32 s29, s13;
	s13 =	simm.s32 $0x9C40;
	s7 =	sshrl.u32 s7, $0x3  }
0xe: {  	s8 =	sadd.s32 s8, s5;
	s30 =	sshrl.u32 s6, $0x3;
	s6 =	sadd.s32 s11, s12  }
0xf: {  	s31 =	sshll.u32 s10, $0x3;
	s9 =	smax.u32 s9, $0x1;
	s7 =	sadd.s32 s7, s5  }
0x10: {  	s5 =	sadd.s32 s28, s2;
	s8 =	sadd.s32 $0x17A00, s8;
	s10 =	sadd.s32 $0x13600, s6  }
0x11: {  	s12 =	sadd.s32 s11, s31;
	s4 =	sadd.s32 $0xDC00, s7;
	s7 =	sadd.s32 s11, s30  }
0x12: {  	v0 =	vimm.f32 $0.0e+00;
	s11 =	sadd.s32 $0x780, s12;
	s12 =	sadd.s32 $0x500, s12;
	s7 =	sadd.s32 $0x280, s7  }
.LBB2_1:
0x13: {  	[tilespmem:s13], [sflag:$0x3] =	stream.linear.gather [hbm4b:s4+s3], $0x2710, $0x38;
	[tilespmem:$0x18790] =	vst v63  }
0x14: {  	_ =	swait.ge [sflag:s14], $0x2710  }
0x15: {  	[sflag:s14] =	ssyncset.done $0x0  }
0x16: {  	s24 =	simm.s32 $0x100;
	s23 =	simm.s32 $0x0;
	[sflag:s14] =	ssyncadd.s32 $0xFFFFD8F0  }
.LBB2_2:
0x17: {  	p0 =	sne.s32 s24, $0x27000;
	[tilespmem:s23+$0xEB80] =	vst v0;
	s25 =	smov.u32 s24;
	s24 =	sadd.s32 $0x100, s24  }
.Ltmp0:
0x18: {  	[tilespmem:s23+$0xEB70] =	vst v0;
	(pc) =	sbr.rel @p0 .LBB2_2-.Ltmp0, $3  }
0x19: {  	[tilespmem:s23+$0xEB50] =	vst v0  }
0x1a: {  	[tilespmem:s23+$0xEB60] =	vst v0;
	_ =	sdelay $0x1  }
0x1b: {  	s23 =	sshra.s32 s25, $0x2  }
0x1c: {  	[tilespmem:s23+$0xEB80] =	vst v0  }
0x1d: {  	[tilespmem:s23+$0xEB70] =	vst v0  }
0x1e: {  	[tilespmem:s23+$0xEB50] =	vst v0  }
0x1f: {  	[tilespmem:s23+$0xEB60] =	vst v0  }
0x20: {  	[spmem:s5] =	stream.linear.scatter [tilespmem:s15], [sflag:$0x3], $0x9C40, $0x38;
	[tilespmem:$0x18790] =	vst v63  }
0x21: {  	_ =	swait.ge [sflag:s14], $0x9C40  }
0x22: {  	[sflag:s14] =	ssyncset.done $0x0  }
0x23: {  	[sflag:s14] =	ssyncadd.s32 $0xFFFF63C0  }
0x24: {  	s28 =	simm.s32 $0x0;
	[bflag:$0x0] =	sbarrier.arrive $0xFFFF  }
0x25: {  	[tilespmem:s16], [sflag:$0x1] =	stream.linear.gather [hbm4b:s6+s28], $0x1400, $0x38;
	[tilespmem:$0x18790] =	vst v63  }
0x26: {  	_ = 	snop  }
0x27: {  	[tilespmem:s17], [sflag:$0x2] =	stream.linear.gather [hbm4b:s7+s28], $0x1400, $0x38;
	[tilespmem:$0x18790] =	vst v63  }
0x28: {  	_ =	swait.ge [sflag:s18], $0x1400  }
0x29: {  	[sflag:s18] =	ssyncset.done $0x0  }
0x2a: {  	s29 =	simm.s32 $0x9C40;
	[sflag:s18] =	ssyncadd.s32 $0xFFFFEC00  }
0x2b: {  	[spmem:s2] =	stream.indirect.scatter.add.f32 [tilespmem:s16], [sflag:$0x3], $0x40, s29, s19, $0xb8;
	[tilespmem:$0x18790] =	vst v63  }
0x2c: {  	_ =	swait.ge [sflag:s14], $0x1400  }
0x2d: {  	[sflag:s14] =	ssyncset.done $0x0  }
0x2e: {  	s30 =	sadd.s32 $0x0, s12;
	[sflag:s14] =	ssyncadd.s32 $0xFFFFEC00  }
0x2f: {  	[tilespmem:s16], [sflag:$0x1] =	stream.linear.gather [hbm4b:s30+s3], $0x1400, $0x38;
	[tilespmem:$0x18790] =	vst v63  }
0x30: {  	_ =	swait.ge [sflag:s20], $0x1400  }
0x31: {  	[sflag:s20] =	ssyncset.done $0x0  }
0x32: {  	s31 =	simm.s32 $0x9C90;
	[sflag:s20] =	ssyncadd.s32 $0xFFFFEC00  }
0x33: {  	[spmem:s2] =	stream.indirect.scatter.add.f32 [tilespmem:s17], [sflag:$0x3], $0x40, s31, s19, $0xb8;
	[tilespmem:$0x18790] =	vst v63  }
0x34: {  	_ =	swait.ge [sflag:s14], $0x1400  }
0x35: {  	s24 =	simm.s32 $0x500;
	[sflag:s14] =	ssyncset.done $0x0  }
0x36: {  	s26 =	sadd.s32 $0x0, s11;
	s23 =	simm.s32 $0x9D30;
	[sflag:s14] =	ssyncadd.s32 $0xFFFFEC00  }
.LBB2_4:
0x37: {  	s25 =	smov.u32 s23  }
0x38: {  	[tilespmem:s17], [sflag:$0x2] =	stream.linear.gather [hbm4b:s26+s3], $0x1400, $0x38;
	[tilespmem:$0x18790] =	vst v63  }
0x39: {  	s26 =	smov.u32 s24  }
0x3a: {  	p0 =	sne.s32 s24, $0x12C00;
	s24 =	sadd.s32 $0x500, s24;
	_ =	swait.ge [sflag:s18], $0x1400  }
0x3b: {  	[sflag:s18] =	ssyncset.done $0x0  }
0x3c: {  	s28 =	sadd.s32 $0xFFFFFFB0, s23;
	[sflag:s18] =	ssyncadd.s32 $0xFFFFEC00  }
0x3d: {  	[spmem:s2] =	stream.indirect.scatter.add.f32 [tilespmem:s16], [sflag:$0x3], $0x40, s28, s19, $0xb8;
	[tilespmem:$0x18790] =	vst v63  }
0x3e: {  	_ =	swait.ge [sflag:s14], $0x1400  }
0x3f: {  	[sflag:s14] =	ssyncset.done $0x0  }
0x40: {  	s28 =	sadd.s32 s26, s12;
	[sflag:s14] =	ssyncadd.s32 $0xFFFFEC00  }
0x41: {  	[tilespmem:s16], [sflag:$0x1] =	stream.linear.gather [hbm4b:s28+s3], $0x1400, $0x38;
	[tilespmem:$0x18790] =	vst v63  }
0x42: {  	_ =	swait.ge [sflag:s20], $0x1400  }
0x43: {  	[sflag:s20] =	ssyncset.done $0x0  }
.Ltmp1:
0x44: {  	[sflag:s20] =	ssyncadd.s32 $0xFFFFEC00;
	(pc) =	sbr.rel @p0 .LBB2_4-.Ltmp1, $4  }
0x45: {  	[spmem:s2] =	stream.indirect.scatter.add.f32 [tilespmem:s17], [sflag:$0x3], $0x40, s23, s19, $0xb8;
	[tilespmem:$0x18790] =	vst v63  }
0x46: {  	_ =	swait.ge [sflag:s14], $0x1400  }
0x47: {  	[sflag:s14] =	ssyncset.done $0x0  }
0x48: {  	s26 =	sadd.s32 s26, s11;
	s23 =	sadd.s32 $0xA0, s23;
	[sflag:s14] =	ssyncadd.s32 $0xFFFFEC00  }
0x49: {  	[tilespmem:s17], [sflag:$0x2] =	stream.linear.gather [hbm4b:s26+s3], $0x1400, $0x38;
	[tilespmem:$0x18790] =	vst v63  }
0x4a: {  	_ =	swait.ge [sflag:s18], $0x1400  }
0x4b: {  	[sflag:s18] =	ssyncset.done $0x0  }
0x4c: {  	s24 =	sadd.s32 $0x50, s25;
	[sflag:s18] =	ssyncadd.s32 $0xFFFFEC00  }
0x4d: {  	[spmem:s2] =	stream.indirect.scatter.add.f32 [tilespmem:s16], [sflag:$0x3], $0x40, s24, s19, $0xb8;
	[tilespmem:$0x18790] =	vst v63  }
0x4e: {  	_ =	swait.ge [sflag:s14], $0x1400  }
0x4f: {  	[sflag:s14] =	ssyncset.done $0x0  }
0x50: {  	[sflag:s14] =	ssyncadd.s32 $0xFFFFEC00  }
0x51: {  	[tilespmem:s16], [sflag:$0x1] =	stream.linear.gather [hbm4b:s10+s3], $0x1400, $0x38;
	[tilespmem:$0x18790] =	vst v63  }
0x52: {  	_ =	swait.ge [sflag:s20], $0x1400  }
0x53: {  	[sflag:s20] =	ssyncset.done $0x0  }
0x54: {  	[sflag:s20] =	ssyncadd.s32 $0xFFFFEC00  }
0x55: {  	[spmem:s2] =	stream.indirect.scatter.add.f32 [tilespmem:s17], [sflag:$0x3], $0x40, s23, s19, $0xb8;
	[tilespmem:$0x18790] =	vst v63  }
0x56: {  	_ =	swait.ge [sflag:s14], $0x1400  }
0x57: {  	[sflag:s14] =	ssyncset.done $0x0  }
0x58: {  	[sflag:s14] =	ssyncadd.s32 $0xFFFFEC00  }
0x59: {  	_ =	swait.ge [sflag:s18], $0x1400  }
0x5a: {  	[sflag:s18] =	ssyncset.done $0x0  }
0x5b: {  	[sflag:s18] =	ssyncadd.s32 $0xFFFFEC00  }
0x5c: {  	[spmem:s2] =	stream.indirect.scatter.add.f32 [tilespmem:s16], [sflag:$0x3], $0x40, s21, s19, $0xb8;
	[tilespmem:$0x18790] =	vst v63  }
0x5d: {  	_ =	swait.ge [sflag:s14], $0x1400  }
0x5e: {  	[sflag:s14] =	ssyncset.done $0x0  }
0x5f: {  	[sflag:s14] =	ssyncadd.s32 $0xFFFFEC00  }
0x60: {  	[bflag:$0x0] =	sbarrier.arrive $0xFFFF  }
0x61: {  	[tilespmem:s15], [sflag:$0x3] =	stream.linear.gather [spmem:s5], $0x9C40, $0x38;
	[tilespmem:$0x18790] =	vst v63  }
0x62: {  	s22 =	sadd.s32 $0x1, s22;
	_ =	swait.ge [sflag:s14], $0x9C40  }
0x63: {  	p0 =	sne.s32 s22, s9;
	[sflag:s14] =	ssyncset.done $0x0  }
.Ltmp2:
0x64: {  	[sflag:s14] =	ssyncadd.s32 $0xFFFF63C0;
	(pc) =	sbr.rel @p0 .LBB2_1-.Ltmp2, $4  }
0x65: {  	[hbm4b:s8+s3] =	stream.linear.scatter [tilespmem:s15], [sflag:$0x3], $0x9C40, $0x38;
	[tilespmem:$0x18790] =	vst v63  }
0x66: {  	_ =	swait.ge [sflag:s14], $0x9C40  }
0x67: {  	[sflag:s14] =	ssyncset.done $0x0  }
0x68: {  	[sflag:s14] =	ssyncadd.s32 $0xFFFF63C0  }
0x69: {  	_ =	sfence.sel $0x180000  }
0x6a: {  	[bflag:$0x0] =	sbarrier.arrive $0xFFFF  }
0x6b: {  	p0 =	sne.s32 s0, $0x0;
	_ =	strace $0x9000004D  }
0x6c: {  	s0 =	sadd.s32 @!p0 $0x100000, s1;
	[bflag:$0x2] =	sbarrier.arrive $0xFFFF  }
0x6d: {  	[sflag:s0] =	ssyncadd.tile.s32 @!p0 $0x1;
	_ =	shalt  }
.Lfunc_end2:
_tile_overlayer_lowered:
.L_overlay_start_2:
0x6e: {  	(tag) =	ssettag $0x2  }
0x6f: {  	s0 =	rddreg [dreg:$0x0];
	s2 =	stileid.u32  }
0x70: {  	s1 =	rddreg [dreg:$0x1];
	p0 =	sne.s32 s2, $0x0  }
0x71: {  	s3 =	rddreg [dreg:$0x2];
	[bflag:$0x3] =	sbarrier.arrive $0xFFFF;
	s2 =	simm.s32 @!p0 $0x1C03  }
0x72: {  	[timem:s3], [sflag:s2] =	dma.local @!p0 [hbm:s0], s1  }
0x73: {  	s0 =	simm.s32 @!p0 $0x3  }
0x74: {  	_ =	swait.ge @!p0 [sflag:s0], s1  }
0x75: {  	s1 =	ssub.s32 @!p0 $0x0, s1;
	[sflag:s0] =	ssyncset.done @!p0 $0x0  }
0x76: {  	[sflag:s0] =	ssyncadd.s32 @!p0 s1  }
0x77: {  	[bflag:$0x3] =	sbarrier.arrive $0xFFFF  }
0x78: {  	_ =	shalt  }

// kernel: kernel.8.cloned.1.call-start
scs
__scs_entry_jumppad:
0x0: {  	(pc) =	sbr.rel $0x88, $3  }
0x1: {  	(tag) =	ssettag $0x0;
	lr =	simm.s32 $0x1  }
0x2: {  	[smem:$0x3F96] =	sst lr;
	_ =	strace $0xD0000000  }
0x3: {  	_ = 	snop  }
0x4: {  	_ = 	snop  }
0x5: {  	_ = 	snop  }
0x6: {  	_ = 	snop  }
0x7: {  	_ = 	snop  }
__scs_overlays_trampoline_lowered:
0x8: {  	[smem:$0x3FA5] =	sst s0  }
0x9: {  	[smem:$0x3FA6] =	sst s1  }
0xa: {  	[smem:$0x3FA7] =	sst s2  }
0xb: {  	[smem:$0x3FA8] =	sst s3  }
0xc: {  	[smem:$0x3FA9] =	sst s4  }
0xd: {  	[smem:$0x3FAA] =	sst s5  }
0xe: {  	[smem:$0x3FAB] =	sst s6  }
0xf: {  	[smem:$0x3FAC] =	sst s7  }
0x10: {  	[smem:$0x3FAD] =	sst s8  }
0x11: {  	[smem:$0x3FAE] =	sst s9;
	s0 =	simm.s32 @!p0 $0x0  }
0x12: {  	s1 =	sld [smem:$0x3F94];
	s0 =	simm.s32 @p0 $0x1  }
0x13: {  	[smem:$0x3FAF] =	sst s0;
	s0 =	simm.s32 @!p1 $0x0  }
0x14: {  	s2 =	sld [smem:$0x3F93];
	s0 =	simm.s32 @p1 $0x1  }
0x15: {  	[smem:$0x3FB0] =	sst s0;
	s0 =	simm.s32 @!p2 $0x0  }
0x16: {  	s3 =	sld [smem:$0x3FDB];
	s0 =	simm.s32 @p2 $0x1  }
0x17: {  	s4 =	simm.s32 $0x1BF5;
	[smem:$0x3FB2] =	sst s0  }
0x18: {  	s0 =	sld [smem:$0x3F95];
	_ =	swait.ge [sflag:s4], $0x0  }
0x19: {  	s7 =	sld [smem:$0x3F96]  }
0x1a: {  	s8 =	sadd.s32 $0xFFFFE003, lr  }
0x1b: {  	s9 =	sadd.s32 $0xFFFFFEF7, lr;
	s5 =	simm.s32 $0xFFFFFFFF;
	p2 =	slt.u32 s8, $0xFFFFF086  }
0x1c: {  	p1 =	slt.u32 s9, $0xF7A;
	s5 =	simm.s32 @!p2 $0x0  }
0x1d: {  	s5 =	simm.s32 @p1 $0x1;
	p0 =	seq.s32 s7, s2  }
0x1e: {  	s7 =	smul.u32 @!p0 $0xF7A, s2;
	p2 =	seq.s32 @!p0 s5, $0x0  }
0x1f: {  	s9 =	smul.u32 $0xF7A, s1;
	s8 =	simm.s32 @!p0 $0x1BF5;
	p2 =	por !p2, p0  }
0x20: {  	[sflag:s8] =	ssyncset.s32 @!p0 $0xFFFFF086;
	s6 =	sadd.s32 @!p0 s3, s7;
	s7 =	simm.s32 @!p0 $0x108  }
0x21: {  	s3 =	sadd.s32 s3, s9;
	s6 =	sadd.s32 @!p0 $0x88, s6;
	s7 =	simm.s32 @p2 $0x1082  }
0x22: {  	[simem:s7], [sflag:s8] =	dma.local @!p0 [hbm:s6], $0xF7A  }
0x23: {  	s9 =	sor.u32 $0xD0000000, s2;
	s6 =	simm.s32 $0x108;
	_ =	swait.ge @!p0 [sflag:s8], $0x0  }
0x24: {  	s3 =	sadd.s32 $0x88, s3;
	s6 =	simm.s32 @!p1 $0x1082;
	[sflag:s4] =	ssyncset.s32 $0xFFFFF086  }
0x25: {  	[simem:s6], [sflag:s4] =	dma.local [hbm:s3], $0xF7A  }
0x26: {  	[smem:$0x3F96] =	sst s1;
	(tag) =	ssettag s2;
	_ =	strace s9  }
0x27: {  	s1 =	sld [smem:$0x3FA6]  }
0x28: {  	s2 =	sld [smem:$0x3FA7]  }
0x29: {  	s4 =	sld [smem:$0x3FA9]  }
0x2a: {  	p0 =	seq.s32 s5, $0x0;
	s5 =	sld [smem:$0x3FAA]  }
0x2b: {  	s6 =	sld [smem:$0x3FAB]  }
0x2c: {  	s7 =	sld [smem:$0x3FAC]  }
0x2d: {  	s3 =	simm.s32 $0x108;
	s8 =	sld [smem:$0x3FAD]  }
0x2e: {  	s3 =	simm.s32 @!p0 $0x1082;
	s9 =	sld [smem:$0x3FAE]  }
0x2f: {  	lr =	sadd.s32 s0, s3;
	s0 =	sld [smem:$0x3FA5]  }
0x30: {  	s3 =	sld [smem:$0x3FA8]  }
0x31: {  	[smem:$0x3FB1] =	sst s10  }
0x32: {  	s10 =	sld [smem:$0x3FAF];
	_ =	sdelay $0x3  }
0x33: {  	p0 =	seq.s32 s10, $0x1;
	s10 =	sld [smem:$0x3FB1];
	_ =	sdelay $0x3  }
0x34: {  	[smem:$0x3FB1] =	sst s10  }
0x35: {  	s10 =	sld [smem:$0x3FB0];
	_ =	sdelay $0x3  }
0x36: {  	p1 =	seq.s32 s10, $0x1;
	s10 =	sld [smem:$0x3FB1];
	_ =	sdelay $0x3  }
0x37: {  	[smem:$0x3FB1] =	sst s10  }
0x38: {  	s10 =	sld [smem:$0x3FB2]  }
0x39: {  	_ = 	snop;
	(pc) =	sbr.ind lr, $3  }
0x3a: {  	_ = 	snop  }
0x3b: {  	_ = 	snop  }
0x3c: {  	p2 =	seq.s32 s10, $0x1;
	s10 =	sld [smem:$0x3FB1]  }
0x3d: {  	_ =	shalt  }
0x3e: {  	_ =	shalt  }
0x3f: {  	_ =	shalt  }
0x40: {  	_ =	shalt  }
0x41: {  	_ =	shalt  }
0x42: {  	_ =	shalt  }
0x43: {  	_ =	shalt  }
0x44: {  	_ =	shalt  }
0x45: {  	_ =	shalt  }
0x46: {  	_ =	shalt  }
0x47: {  	_ =	shalt  }
0x48: {  	_ =	shalt  }
0x49: {  	_ =	shalt  }
0x4a: {  	_ =	shalt  }
0x4b: {  	_ =	shalt  }
0x4c: {  	_ =	shalt  }
0x4d: {  	_ =	shalt  }
0x4e: {  	_ =	shalt  }
0x4f: {  	_ =	shalt  }
0x50: {  	_ =	shalt  }
0x51: {  	_ =	shalt  }
0x52: {  	_ =	shalt  }
0x53: {  	_ =	shalt  }
0x54: {  	_ =	shalt  }
0x55: {  	_ =	shalt  }
0x56: {  	_ =	shalt  }
0x57: {  	_ =	shalt  }
0x58: {  	_ =	shalt  }
0x59: {  	_ =	shalt  }
0x5a: {  	_ =	shalt  }
0x5b: {  	_ =	shalt  }
0x5c: {  	_ =	shalt  }
0x5d: {  	_ =	shalt  }
0x5e: {  	_ =	shalt  }
0x5f: {  	_ =	shalt  }
0x60: {  	_ =	shalt  }
0x61: {  	_ =	shalt  }
0x62: {  	_ =	shalt  }
0x63: {  	_ =	shalt  }
0x64: {  	_ =	shalt  }
0x65: {  	_ =	shalt  }
0x66: {  	_ =	shalt  }
0x67: {  	_ =	shalt  }
0x68: {  	_ =	shalt  }
0x69: {  	_ =	shalt  }
0x6a: {  	_ =	shalt  }
0x6b: {  	_ =	shalt  }
0x6c: {  	_ =	shalt  }
0x6d: {  	_ =	shalt  }
0x6e: {  	_ =	shalt  }
0x6f: {  	_ =	shalt  }
0x70: {  	_ =	shalt  }
0x71: {  	_ =	shalt  }
0x72: {  	_ =	shalt  }
0x73: {  	_ =	shalt  }
0x74: {  	_ =	shalt  }
0x75: {  	_ =	shalt  }
0x76: {  	_ =	shalt  }
0x77: {  	_ =	shalt  }
0x78: {  	_ =	shalt  }
0x79: {  	_ =	shalt  }
0x7a: {  	_ =	shalt  }
0x7b: {  	_ =	shalt  }
0x7c: {  	_ =	shalt  }
0x7d: {  	_ =	shalt  }
0x7e: {  	_ =	shalt  }
0x7f: {  	_ =	shalt  }
0x80: {  	_ =	shalt  }
0x81: {  	_ =	shalt  }
0x82: {  	_ =	shalt  }
0x83: {  	_ =	shalt  }
0x84: {  	_ =	shalt  }
0x85: {  	_ =	shalt  }
0x86: {  	_ =	shalt  }
0x87: {  	_ =	shalt  }
.Lfunc_end0:
.L_simem_size_0:
called_computation.1_lowered:
.L_overlay_start_0:
0x88: {  	s2 =	sld [smem:$0x3FD9]  }
0x89: {  	s3 =	sld [smem:$0x3FFE];
	_ =	sdelay $0x1  }
0x8a: {  	s1 =	srdreg.scid  }
0x8b: {  	s0 =	sand.u32 $0x1, s1  }
0x8c: {  	s16 =	sshll.u32 s0, $0xA;
	s2 =	sadd.s32 s3, s2  }
0x8d: {  	s2 =	sadd.s32 s2, s16  }
0x8e: {  	[smem:$0x3FBD] =	sst s2  }
0x8f: {  	_ = 	snop  }
0x90: {  	(tm) =	ssettm $0x1  }
0x91: {  	s17 =	sld [smem:$0x3FFB];
	_ =	sdelay $0x3  }
0x92: {  	_ =	strace s17  }
0x93: {  	s2 =	sld [smem:$0x3FFC];
	_ =	sdelay $0x3  }
0x94: {  	_ =	strace s2  }
0x95: {  	s2 =	sld [smem:$0x3FFD];
	_ =	sdelay $0x3  }
0x96: {  	_ =	strace s2  }
0x97: {  	_ =	strace $0x8FFFFFFF  }
0x98: {  	s18 =	sld [smem:$0x3FDB];
	_ =	sdelay $0x1  }
0x99: {  	s19 =	simm.s32 $_scs_section_size  }
0x9a: {  	s4 =	simm.s32 $_size__tile_overlayer_lowered;
	s5 =	simm.s32 $_tile_overlayer_lowered  }
0x9b: {  	s22 =	simm.s32 $0x1BFF;
	s21 =	sshll.u32 s5, $0x1;
	s2 =	sadd.s32 s19, s18  }
0x9c: {  	s6 =	simm.s32 $0x0;
	s20 =	sshll.u32 s4, $0x1;
	s4 =	sadd.s32 s21, s2  }
0x9d: {  	[timem:s6], [sflag:s22] =	dma.local [hbm:s4], s20  }
0x9e: {  	_ =	swait.ge [sflag:s22], s20  }
0x9f: {  	s3 =	ssub.s32 $0x0, s20;
	[sflag:s22] =	ssyncset.done $0x0  }
0xa0: {  	[sflag:s22] =	ssyncadd.s32 s3;
	_ =	sdelay $0x1  }
0xa1: {  	s23 =	simm.s32 $0x1B8B  }
0xa2: {  	_ =	swait.ge [sflag:s23], $0x1  }
0xa3: {  	[sflag:s23] =	ssyncset.done $0x0  }
0xa4: {  	s25 =	simm.s32 $0x1B8E;
	s24 =	sld [smem:$0x3FFE];
	[sflag:s23] =	ssyncadd.s32 $0xFFFFFFFF  }
0xa5: {  	s26 =	simm.s32 $execute0_lowered;
	[smem:$0x3FD2] =	sst s25  }
0xa6: {  	s4 =	sshll.u32 s26, $0x1;
	_ =	strace $0x80000046;
	[dreg:$0x1] =	wrdreg $0xFFFFFFFF  }
0xa7: {  	s28 =	simm.s32 $_size_execute0_lowered;
	s2 =	sadd.s32 s2, s4;
	[dreg:$0x0] =	wrdreg $0x0  }
0xa8: {  	s4 =	sshll.u32 s28, $0x1;
	[dreg:$0x2] =	wrdreg s2  }
0xa9: {  	[dreg:$0x3] =	wrdreg s4  }
0xaa: {  	[dreg:$0x4] =	wrdreg $0xC0  }
0xab: {  	_ =	task [dreg:s6], $0x5FFFF  }
0xac: {  	[dreg:$0x1] =	wrdreg $0xFFFFFFFF  }
0xad: {  	[dreg:$0x0] =	wrdreg $0x60  }
0xae: {  	[dreg:$0x2] =	wrdreg s24  }
0xaf: {  	[dreg:$0x3] =	wrdreg $0x9  }
0xb0: {  	_ =	task.clear_ibuf [dreg:s6], $0x4FFFF;
	_ =	strace $0x90000046  }
0xb1: {  	s29 =	simm.s32 $0x9;
	_ =	strace $0x80000048  }
0xb2: {  	_ =	swait.ge [sflag:s29], $0x1  }
0xb3: {  	[sflag:s29] =	ssyncadd.s32 $0xFFFFFFFF  }
0xb4: {  	_ =	strace $0x90000048  }
0xb5: {  	_ =	sfence  }
0xb6: {  	s30 =	sld [smem:$0x0];
	_ =	sdelay $0x2  }
0xb7: {  	s31 =	sshll.u32 s1, $0xD;
	s1 =	sshrl.u32 s1, $0x2  }
0xb8: {  	s3 =	sand.u32 $0x4000, s31;
	s1 =	sadd.s32 s1, s30  }
0xb9: {  	s0 =	sor.u32 s3, s0;
	s1 =	sshll.u32 s1, $0x11  }
0xba: {  	s0 =	sor.u32 s1, s0  }
0xbb: {  	s0 =	sadd.s32 $0x8F2B, s0  }
0xbc: {  	[sflag:s0] =	ssyncadd.remote.s32 $0x1  }
0xbd: {  	_ =	sfence.sel $0xFFFF  }
0xbe: {  	[dreg:$0x0] =	wrdreg $0xFFFFFFFF;
	(pc) =	sbr.abs _section_cstart, $3  }
0xbf: {  	[dreg:$0x1] =	wrdreg $0xFFFFFFFF  }
0xc0: {  	_ =	task.clear_ibuf [dreg:s6], $0x2FFFF;
	_ =	strace $0x9FFFFFFF  }
0xc1: {  	(tm) =	ssettm $0x7FFFFFFF  }
tec
execute0_lowered:
.L_overlay_start_1:
0x0: {  	(tag) =	ssettag $0x1  }
0x1: {  	s1 =	srdreg.scid  }
0x2: {  	s0 =	stileid.u32;
	s4 =	rddreg [dreg:$0x0]  }
0x3: {  	s2 =	simm.s32 $0x0;
	s14 =	simm.s32 $0x3B10;
	s15 =	simm.s32 $0x1  }
0x4: {  	s16 =	simm.s32 $0x2;
	s17 =	simm.s32 $0x0;
	s10 =	smul.u32 $0x4E20, s0  }
0x5: {  	s8 =	sand.u32 $0x1, s1;
	s1 =	rddreg [dreg:$0x1];
	s12 =	smul.u32 $0x27100, s0  }
0x6: {  	s3 =	sshll.u32 s0, $0x1;
	[smem:$0x7FF] =	sst s2;
	s29 =	smul.u32 $0x2710, s8  }
0x7: {  	s11 =	sadd.s32 $0x2B400, s4;
	s5 =	sor.u32 s8, s3;
	s13 =	smul.u32 $0x13880, s8  }
0x8: {  	_ =	strace $0x80000047;
	s7 =	ssub.s32 $0x2, s8;
	s6 =	smul.u32 $0x2710, s5  }
0x9: {  	s3 =	sadd.s32 $0x17A00, s4;
	s9 =	smul.u32 $0x13880, s5;
	s28 =	sshrl.u32 s7, $0x1  }
0xa: {  	s31 =	sadd.s32 s12, s11;
	s12 =	simm.s32 $0x50;
	s10 =	sadd.s32 s29, s10  }
0xb: {  	s6 =	sshrl.u32 s6, $0x3;
	s9 =	sadd.s32 s11, s9;
	s10 =	sshll.u32 s10, $0x3  }
0xc: {  	s26 =	sadd.s32 s6, s4;
	s6 =	ssub.s32 s7, s28;
	s7 =	sadd.s32 $0x13100, s9  }
0xd: {  	s8 =	sadd.s32 $0x13380, s9;
	s30 =	sadd.s32 s11, s10;
	s10 =	sadd.s32 s13, s31  }
0xe: {  	s11 =	simm.s32 $0x3;
	s13 =	simm.s32 $0x2710;
	s4 =	sadd.s32 $0x3E00, s26  }
0xf: {  	s5 =	smax.u32 s6, $0x1;
	s6 =	sadd.s32 $0x13600, s9;
	s9 =	sadd.s32 $0x280, s30  }
.LBB2_1:
0x10: {  	[tilespmem:s2], [sflag:$0x3] =	stream.linear.gather [hbm4b:s4+s2], $0x2710, $0x38;
	[tilespmem:$0x4F10] =	vst v63  }
0x11: {  	_ =	swait.ge [sflag:s11], $0x2710  }
0x12: {  	[sflag:s11] =	ssyncset.done $0x0  }
0x13: {  	[sflag:s11] =	ssyncadd.s32 $0xFFFFD8F0  }
0x14: {  	[tilespmem:s13], [sflag:$0x1] =	stream.indirect.gather [hbm4b:s3+s12], $0x40, s2, s12, $0xb8;
	[tilespmem:$0x4F10] =	vst v63  }
0x15: {  	_ = 	snop  }
0x16: {  	[tilespmem:s14], [sflag:$0x2] =	stream.indirect.gather [hbm4b:s3+s12], $0x40, s12, s12, $0xb8;
	[tilespmem:$0x4F10] =	vst v63  }
0x17: {  	_ =	swait.ge [sflag:s15], $0x1400  }
0x18: {  	[sflag:s15] =	ssyncset.done $0x0  }
0x19: {  	s18 =	sadd.s32 $0x0, s10;
	[sflag:s15] =	ssyncadd.s32 $0xFFFFEC00  }
0x1a: {  	[hbm4b:s18+s2] =	stream.linear.scatter [tilespmem:s13], [sflag:$0x3], $0x1400, $0x38;
	[tilespmem:$0x4F10] =	vst v63  }
0x1b: {  	_ =	swait.ge [sflag:s11], $0x1400  }
0x1c: {  	[sflag:s11] =	ssyncset.done $0x0  }
0x1d: {  	s30 =	simm.s32 $0xA0;
	[sflag:s11] =	ssyncadd.s32 $0xFFFFEC00  }
0x1e: {  	[tilespmem:s13], [sflag:$0x1] =	stream.indirect.gather [hbm4b:s3+s12], $0x40, s30, s12, $0xb8;
	[tilespmem:$0x4F10] =	vst v63  }
0x1f: {  	_ =	swait.ge [sflag:s16], $0x1400  }
0x20: {  	[sflag:s16] =	ssyncset.done $0x0  }
0x21: {  	s31 =	sadd.s32 $0x0, s9;
	[sflag:s16] =	ssyncadd.s32 $0xFFFFEC00  }
0x22: {  	[hbm4b:s31+s2] =	stream.linear.scatter [tilespmem:s14], [sflag:$0x3], $0x1400, $0x38;
	[tilespmem:$0x4F10] =	vst v63  }
0x23: {  	_ =	swait.ge [sflag:s11], $0x1400  }
0x24: {  	s19 =	simm.s32 $0x500;
	[sflag:s11] =	ssyncset.done $0x0  }
0x25: {  	s20 =	simm.s32 $0xF0;
	s18 =	simm.s32 $0x140;
	[sflag:s11] =	ssyncadd.s32 $0xFFFFEC00  }
.LBB2_2:
0x26: {  	[tilespmem:s14], [sflag:$0x2] =	stream.indirect.gather [hbm4b:s3+s12], $0x40, s20, s12, $0xb8;
	[tilespmem:$0x4F10] =	vst v63  }
0x27: {  	s20 =	smov.u32 s19  }
0x28: {  	p0 =	sne.s32 s19, $0x12C00;
	s19 =	sadd.s32 $0x500, s19;
	_ =	swait.ge [sflag:s15], $0x1400  }
0x29: {  	[sflag:s15] =	ssyncset.done $0x0  }
0x2a: {  	s21 =	sadd.s32 s20, s10;
	[sflag:s15] =	ssyncadd.s32 $0xFFFFEC00  }
0x2b: {  	[hbm4b:s21+s2] =	stream.linear.scatter [tilespmem:s13], [sflag:$0x3], $0x1400, $0x38;
	[tilespmem:$0x4F10] =	vst v63  }
0x2c: {  	_ =	swait.ge [sflag:s11], $0x1400  }
0x2d: {  	[sflag:s11] =	ssyncset.done $0x0  }
0x2e: {  	[sflag:s11] =	ssyncadd.s32 $0xFFFFEC00  }
0x2f: {  	[tilespmem:s13], [sflag:$0x1] =	stream.indirect.gather [hbm4b:s3+s12], $0x40, s18, s12, $0xb8;
	[tilespmem:$0x4F10] =	vst v63  }
0x30: {  	_ =	swait.ge [sflag:s16], $0x1400  }
0x31: {  	[sflag:s16] =	ssyncset.done $0x0  }
.Ltmp0:
0x32: {  	s20 =	sadd.s32 s20, s9;
	[sflag:s16] =	ssyncadd.s32 $0xFFFFEC00;
	(pc) =	sbr.rel @p0 .LBB2_2-.Ltmp0, $4  }
0x33: {  	[hbm4b:s20+s2] =	stream.linear.scatter [tilespmem:s14], [sflag:$0x3], $0x1400, $0x38;
	[tilespmem:$0x4F10] =	vst v63  }
0x34: {  	_ =	swait.ge [sflag:s11], $0x1400  }
0x35: {  	[sflag:s11] =	ssyncset.done $0x0  }
0x36: {  	s20 =	sadd.s32 $0x50, s18;
	s18 =	sadd.s32 $0xA0, s18;
	[sflag:s11] =	ssyncadd.s32 $0xFFFFEC00  }
0x37: {  	[tilespmem:s14], [sflag:$0x2] =	stream.indirect.gather [hbm4b:s3+s12], $0x40, s20, s12, $0xb8;
	[tilespmem:$0x4F10] =	vst v63  }
0x38: {  	_ =	swait.ge [sflag:s15], $0x1400  }
0x39: {  	[sflag:s15] =	ssyncset.done $0x0  }
0x3a: {  	[sflag:s15] =	ssyncadd.s32 $0xFFFFEC00  }
0x3b: {  	[hbm4b:s7+s2] =	stream.linear.scatter [tilespmem:s13], [sflag:$0x3], $0x1400, $0x38;
	[tilespmem:$0x4F10] =	vst v63  }
0x3c: {  	_ =	swait.ge [sflag:s11], $0x1400  }
0x3d: {  	[sflag:s11] =	ssyncset.done $0x0  }
0x3e: {  	[sflag:s11] =	ssyncadd.s32 $0xFFFFEC00  }
0x3f: {  	[tilespmem:s13], [sflag:$0x1] =	stream.indirect.gather [hbm4b:s3+s12], $0x40, s18, s12, $0xb8;
	[tilespmem:$0x4F10] =	vst v63  }
0x40: {  	_ =	swait.ge [sflag:s16], $0x1400  }
0x41: {  	[sflag:s16] =	ssyncset.done $0x0  }
0x42: {  	[sflag:s16] =	ssyncadd.s32 $0xFFFFEC00  }
0x43: {  	[hbm4b:s8+s2] =	stream.linear.scatter [tilespmem:s14], [sflag:$0x3], $0x1400, $0x38;
	[tilespmem:$0x4F10] =	vst v63  }
0x44: {  	_ =	swait.ge [sflag:s11], $0x1400  }
0x45: {  	[sflag:s11] =	ssyncset.done $0x0  }
0x46: {  	[sflag:s11] =	ssyncadd.s32 $0xFFFFEC00  }
0x47: {  	s17 =	sadd.s32 $0x1, s17;
	_ =	swait.ge [sflag:s15], $0x1400  }
0x48: {  	p0 =	sne.s32 s17, s5;
	[sflag:s15] =	ssyncset.done $0x0  }
.Ltmp1:
0x49: {  	[sflag:s15] =	ssyncadd.s32 $0xFFFFEC00;
	(pc) =	sbr.rel @p0 .LBB2_1-.Ltmp1, $4  }
0x4a: {  	[hbm4b:s6+s2] =	stream.linear.scatter [tilespmem:s13], [sflag:$0x3], $0x1400, $0x38;
	[tilespmem:$0x4F10] =	vst v63  }
0x4b: {  	_ =	swait.ge [sflag:s11], $0x1400  }
0x4c: {  	[sflag:s11] =	ssyncset.done $0x0  }
0x4d: {  	[sflag:s11] =	ssyncadd.s32 $0xFFFFEC00  }
0x4e: {  	_ =	sfence.sel $0x180000  }
0x4f: {  	[bflag:$0x0] =	sbarrier.arrive $0xFFFF  }
0x50: {  	p0 =	sne.s32 s0, $0x0;
	_ =	strace $0x90000047  }
0x51: {  	s0 =	sadd.s32 @!p0 $0x100000, s1;
	[bflag:$0x2] =	sbarrier.arrive $0xFFFF  }
0x52: {  	[sflag:s0] =	ssyncadd.tile.s32 @!p0 $0x1;
	_ =	shalt  }
.Lfunc_end2:
_tile_overlayer_lowered:
.L_overlay_start_2:
0x53: {  	(tag) =	ssettag $0x2  }
0x54: {  	s0 =	rddreg [dreg:$0x0];
	s2 =	stileid.u32  }
0x55: {  	s1 =	rddreg [dreg:$0x1];
	p0 =	sne.s32 s2, $0x0  }
0x56: {  	s3 =	rddreg [dreg:$0x2];
	[bflag:$0x3] =	sbarrier.arrive $0xFFFF;
	s2 =	simm.s32 @!p0 $0x1C03  }
0x57: {  	[timem:s3], [sflag:s2] =	dma.local @!p0 [hbm:s0], s1  }
0x58: {  	s0 =	simm.s32 @!p0 $0x3  }
0x59: {  	_ =	swait.ge @!p0 [sflag:s0], s1  }
0x5a: {  	s1 =	ssub.s32 @!p0 $0x0, s1;
	[sflag:s0] =	ssyncset.done @!p0 $0x0  }
0x5b: {  	[sflag:s0] =	ssyncadd.s32 @!p0 s1  }
0x5c: {  	[bflag:$0x3] =	sbarrier.arrive $0xFFFF  }
0x5d: {  	_ =	shalt  }

// kernel: sparse-core-data-format-call.cloned.1.call-start
scs
called_computation_lowered:
.L_overlay_start_0:
0x0: {  	s1 =	sld [smem:$0x3FD9]  }
0x1: {  	s2 =	sld [smem:$0x3FFE];
	_ =	sdelay $0x1  }
0x2: {  	s3 =	srdreg.scid  }
0x3: {  	s0 =	sand.u32 $0x1, s3  }
0x4: {  	s17 =	sshll.u32 s0, $0xA;
	s1 =	sadd.s32 s2, s1  }
0x5: {  	s1 =	sadd.s32 s1, s17  }
0x6: {  	[smem:$0x3FBD] =	sst s1  }
0x7: {  	_ = 	snop  }
0x8: {  	(tm) =	ssettm $0x1  }
0x9: {  	s18 =	sld [smem:$0x3FFB];
	_ =	sdelay $0x3  }
0xa: {  	_ =	strace s18  }
0xb: {  	s1 =	sld [smem:$0x3FFC];
	_ =	sdelay $0x3  }
0xc: {  	_ =	strace s1  }
0xd: {  	s1 =	sld [smem:$0x3FFD];
	_ =	sdelay $0x3  }
0xe: {  	_ =	strace s1  }
0xf: {  	_ =	strace $0x8FFFFFFF  }
0x10: {  	s19 =	sld [smem:$0x3FDB];
	_ =	sdelay $0x1  }
0x11: {  	s20 =	simm.s32 $_scs_section_size  }
0x12: {  	s4 =	simm.s32 $_size__tile_overlayer_lowered;
	s5 =	simm.s32 $_tile_overlayer_lowered  }
0x13: {  	s23 =	simm.s32 $0x1BFF;
	s22 =	sshll.u32 s5, $0x1;
	s1 =	sadd.s32 s20, s19  }
0x14: {  	s6 =	simm.s32 $0x0;
	s21 =	sshll.u32 s4, $0x1;
	s4 =	sadd.s32 s22, s1  }
0x15: {  	[timem:s6], [sflag:s23] =	dma.local [hbm:s4], s21  }
0x16: {  	_ =	swait.ge [sflag:s23], s21  }
0x17: {  	s2 =	ssub.s32 $0x0, s21;
	[sflag:s23] =	ssyncset.done $0x0  }
0x18: {  	[sflag:s23] =	ssyncadd.s32 s2;
	_ =	sdelay $0x1  }
0x19: {  	s24 =	simm.s32 $0x1B8B  }
0x1a: {  	_ =	swait.ge [sflag:s24], $0x1  }
0x1b: {  	[sflag:s24] =	ssyncset.done $0x0  }
0x1c: {  	s26 =	simm.s32 $0x1B8E;
	s25 =	sld [smem:$0x3FFE];
	[sflag:s24] =	ssyncadd.s32 $0xFFFFFFFF  }
0x1d: {  	s27 =	simm.s32 $execute0_lowered;
	[smem:$0x3FD2] =	sst s26  }
0x1e: {  	s4 =	sshll.u32 s27, $0x1;
	_ =	strace $0x80000049;
	[dreg:$0x1] =	wrdreg $0xFFFFFFFF  }
0x1f: {  	s28 =	simm.s32 $_size_execute0_lowered;
	s1 =	sadd.s32 s1, s4;
	[dreg:$0x0] =	wrdreg $0x0  }
0x20: {  	s4 =	sshll.u32 s28, $0x1;
	[dreg:$0x2] =	wrdreg s1  }
0x21: {  	[dreg:$0x3] =	wrdreg s4  }
0x22: {  	[dreg:$0x4] =	wrdreg $0xC0  }
0x23: {  	_ =	task [dreg:s6], $0x5FFFF  }
0x24: {  	[dreg:$0x1] =	wrdreg $0xFFFFFFFF  }
0x25: {  	[dreg:$0x0] =	wrdreg $0x60  }
0x26: {  	[dreg:$0x2] =	wrdreg s25  }
0x27: {  	[dreg:$0x3] =	wrdreg $0x9  }
0x28: {  	_ =	task.clear_ibuf [dreg:s6], $0x4FFFF;
	_ =	strace $0x90000049  }
0x29: {  	s29 =	simm.s32 $0x9;
	_ =	strace $0x8000004B  }
0x2a: {  	_ =	swait.ge [sflag:s29], $0x1  }
0x2b: {  	[sflag:s29] =	ssyncadd.s32 $0xFFFFFFFF  }
0x2c: {  	_ =	strace $0x9000004B  }
0x2d: {  	_ =	sfence  }
0x2e: {  	s30 =	sld [smem:$0x0];
	_ =	sdelay $0x2  }
0x2f: {  	s31 =	sshll.u32 s3, $0xD;
	s3 =	sshrl.u32 s3, $0x2  }
0x30: {  	s2 =	sand.u32 $0x4000, s31;
	s1 =	sadd.s32 s3, s30  }
0x31: {  	s0 =	sor.u32 s2, s0;
	s1 =	sshll.u32 s1, $0x11  }
0x32: {  	s0 =	sor.u32 s1, s0  }
0x33: {  	s0 =	sadd.s32 $0x8F2B, s0  }
0x34: {  	[sflag:s0] =	ssyncadd.remote.s32 $0x1  }
0x35: {  	_ =	sfence.sel $0xFFFF  }
0x36: {  	[dreg:$0x0] =	wrdreg $0xFFFFFFFF;
	(pc) =	sbr.abs _section_cstart, $3  }
0x37: {  	[dreg:$0x1] =	wrdreg $0xFFFFFFFF  }
0x38: {  	_ =	task.clear_ibuf [dreg:s6], $0x2FFFF;
	_ =	strace $0x9FFFFFFF  }
0x39: {  	(tm) =	ssettm $0x7FFFFFFF  }
tec
execute0_lowered:
.L_overlay_start_1:
0x0: {  	(tag) =	ssettag $0x1  }
0x1: {  	s0 =	srdreg.scid  }
0x2: {  	s1 =	sshll.u32 s0, $0x4  }
0x3: {  	s4 =	rddreg [dreg:$0x0];
	s0 =	stileid.u32;
	s1 =	sand.u32 $0x10, s1  }
0x4: {  	s7 =	simm.s32 $0x1;
	s8 =	simm.s32 $0x2;
	s1 =	sor.u32 s0, s1  }
0x5: {  	s9 =	simm.s32 $0x0;
	s12 =	simm.s32 $0x0;
	s2 =	sshll.u32 s1, $0x2  }
0x6: {  	s11 =	simm.s32 $0x0;
	s3 =	sadd.s32 $0x17A00, s4;
	s6 =	ssub.s32 $0x1388, s2  }
.Ltmp0:
0x7: {  	s4 =	sadd.s32 $0x288A00, s4;
	s5 =	sand.u32 $0x7C, s6;
	(pc) =	sbr.rel .LBB1_1-.Ltmp0, $4  }
0x8: {  	s1 =	rddreg [dreg:$0x1];
	_ =	strace $0x8000004A;
	p0 =	sne.s32 s5, $0x0  }
0x9: {  	s6 =	sshrl.u32 s6, $0x7;
	s5 =	simm.s32 $0x1;
	s7 =	simm.s32 @!p0 $0x0  }
0xa: {  	s10 =	smov.u32 s2;
	[sflag:s5] =	ssyncpa.u1 $0x0;
	s6 =	sadd.s32 s7, s6  }
0xb: {  	[sflag:s8] =	ssyncpa.u1 $0x0;
	s8 =	simm.s32 $0x0;
	s7 =	sadd.s32 $0x1, s6  }
.LBB1_9:
0xc: {  	s14 =	sadd.s32 $0x80, s10  }
0xd: {  	p1 =	sgt.s32 s14, $0x1387  }
0xe: {  	s14 =	smov.u32 @p1 s2;
	p1 =	sne.s32 s11, s7  }
.Ltmp1:
0xf: {  	p0 =	slt.u32 s11, $0x2;
	(pc) =	sbr.rel @!p1 .LBB1_10-.Ltmp1, $4  }
0x10: {  	s13 =	simm.s32 @!p0 $0x2  }
0x11: {  	s15 =	sadd.s32 $0x1, s11;
	_ =	swait.ge @!p0 [sflag:s13], $0x4000  }
0x12: {  	s12 =	smov.u32 s10;
	s9 =	sadd.s32 $0x4000, s9;
	[sflag:s13] =	ssyncset.done @!p0 $0x0  }
0x13: {  	s11 =	smov.u32 s15;
	s10 =	smov.u32 s14;
	[sflag:s13] =	ssyncadd.s32 @!p0 $0xFFFFC000  }
.LBB1_1:
0x14: {  	p0 =	sge.u32 s11, s6  }
0x15: {  	s13 =	sxor.u32 @!p0 $0xFFFFFFFF, s11  }
0x16: {  	s31 =	sadd.s32 $0xFFFFFFFF, s11;
	s14 =	sshll.u32 @!p0 s10, $0x9;
	s13 =	sshll.u32 @!p0 s13, $0xE  }
0x17: {  	s15 =	simm.s32 @!p0 $0x0;
	s14 =	sadd.s32 @!p0 s3, s14;
	s13 =	sand.u32 @!p0 $0x4000, s13  }
0x18: {  	[tilespmem:s13], [sflag:$0x1] =	stream.linear.gather @!p0 [hbm4b:s14+s15], $0x4000, $0x38;
	[tilespmem:$0x10000] =	vst v63  }
0x19: {  	p0 =	sge.u32 s31, s6  }
.Ltmp2:
0x1a: {  	_ = 	snop;
	(pc) =	sbr.rel @p0 .LBB1_9-.Ltmp2, $1  }
0x1b: {  	_ =	sdelay $0x3  }
0x1c: {  	s14 =	sand.u32 $0x4000, s9  }
0x1d: {  	_ =	swait.ge [sflag:s5], $0x4000;
	s15 =	sshll.u32 s11, $0xE;
	s16 =	simm.s32 $0x0  }
0x1e: {  	s13 =	sor.u32 $0x40, s14;
	[sflag:s5] =	ssyncset.done $0x0;
	s15 =	sand.u32 $0x4000, s15  }
0x1f: {  	s14 =	sor.u32 $0x8040, s14;
	[sflag:s5] =	ssyncadd.s32 $0xFFFFC000;
	s15 =	sor.u32 $0x8000, s15  }
.LBB1_3:
0x20: {  	s17 =	smov.u32 s14;
	s18 =	smov.u32 s13;
	s19 =	simm.s32 $0x0  }
.LBB1_4:
0x21: {  	v0 =	vmov s17;
	v2 =	vld [tilespmem:s18+$0x30]  }
0x22: {  	v4 =	vld [tilespmem:s18+$0xFFFFFFD0]  }
0x23: {  	v6 =	vld [tilespmem:s18+$0xFFFFFFE0]  }
0x24: {  	v7 =	vld [tilespmem:s18+$0xFFFFFFF0]  }
0x25: {  	s20 =	simm.s32 $0x0;
	v1 =	vld [tilespmem:s18+$0x0]  }
0x26: {  	v3 =	vld [tilespmem:s18+$0x10];
	[tilespmem:v0+s20+$0x30 ss:$0x1] =	vst.idx.msk $0xffff, v2  }
0x27: {  	v5 =	vld [tilespmem:s18+$0x20];
	[tilespmem:v0+s20+$0xFFFFFFD0 ss:$0x1] =	vst.idx.msk $0xffff, v4  }
0x28: {  	s21 =	sadd.s32 $0x80, s18;
	v2 =	vld [tilespmem:s18+$0xFFFFFFC0];
	[tilespmem:v0+s20+$0xFFFFFFE0 ss:$0x1] =	vst.idx.msk $0xffff, v6  }
0x29: {  	s22 =	simm.s32 $0x800;
	s23 =	simm.s32 $0x1000;
	v4 =	vld [tilespmem:s21+$0x30];
	[tilespmem:v0+s20+$0xFFFFFFF0 ss:$0x1] =	vst.idx.msk $0xffff, v7  }
.LBB1_5:
0x2a: {  	p0 =	sne.s32 s23, $0x3800;
	v6 =	vld [tilespmem:s21+$0xFFFFFFD0];
	[tilespmem:v0+s20+$0x0 ss:$0x1] =	vst.idx.msk $0xffff, v1  }
0x2b: {  	v7 =	vld [tilespmem:s21+$0xFFFFFFE0];
	[tilespmem:v0+s20+$0x10 ss:$0x1] =	vst.idx.msk $0xffff, v3  }
0x2c: {  	v8 =	vld [tilespmem:s21+$0xFFFFFFF0];
	[tilespmem:v0+s20+$0x20 ss:$0x1] =	vst.idx.msk $0xffff, v5  }
.Ltmp3:
0x2d: {  	v1 =	vld [tilespmem:s21+$0x0];
	[tilespmem:v0+s20+$0xFFFFFFC0 ss:$0x1] =	vst.idx.msk $0xffff, v2;
	s20 =	sshra.s32 s22, $0x2;
	s22 =	smov.u32 s23;
	(pc) =	sbr.rel @p0 .LBB1_5-.Ltmp3, $4  }
0x2e: {  	v3 =	vld [tilespmem:s21+$0x10];
	[tilespmem:v0+s20+$0x30 ss:$0x1] =	vst.idx.msk $0xffff, v4  }
0x2f: {  	[tilespmem:v0+s20+$0xFFFFFFD0 ss:$0x1] =	vst.idx.msk $0xffff, v6;
	v5 =	vld [tilespmem:s21+$0x20]  }
0x30: {  	v2 =	vld [tilespmem:s21+$0xFFFFFFC0];
	[tilespmem:v0+s20+$0xFFFFFFE0 ss:$0x1] =	vst.idx.msk $0xffff, v7;
	s21 =	sadd.s32 $0x80, s21  }
0x31: {  	s23 =	sadd.s32 $0x800, s23;
	v4 =	vld [tilespmem:s21+$0x30];
	[tilespmem:v0+s20+$0xFFFFFFF0 ss:$0x1] =	vst.idx.msk $0xffff, v8  }
0x32: {  	_ =	sdelay $0x3  }
0x33: {  	v6 =	vld [tilespmem:s21+$0xFFFFFFD0];
	[tilespmem:v0+s20+$0x0 ss:$0x1] =	vst.idx.msk $0xffff, v1  }
0x34: {  	v58 =	vld [tilespmem:s21+$0xFFFFFFE0];
	[tilespmem:v0+s20+$0x10 ss:$0x1] =	vst.idx.msk $0xffff, v3  }
0x35: {  	v59 =	vld [tilespmem:s21+$0xFFFFFFF0];
	[tilespmem:v0+s20+$0x20 ss:$0x1] =	vst.idx.msk $0xffff, v5  }
0x36: {  	s22 =	sshra.s32 s22, $0x2;
	v60 =	vld [tilespmem:s21+$0x0];
	[tilespmem:v0+s20+$0xFFFFFFC0 ss:$0x1] =	vst.idx.msk $0xffff, v2  }
0x37: {  	v61 =	vld [tilespmem:s21+$0x10];
	[tilespmem:v0+s22+$0x30 ss:$0x1] =	vst.idx.msk $0xffff, v4  }
0x38: {  	v62 =	vld [tilespmem:s21+$0x20];
	s19 =	sadd.s32 $0x1, s19;
	[tilespmem:v0+s22+$0xFFFFFFD0 ss:$0x1] =	vst.idx.msk $0xffff, v6  }
0x39: {  	v63 =	vld [tilespmem:s21+$0xFFFFFFC0];
	p0 =	sne.s32 s19, $0x4;
	[tilespmem:v0+s22+$0xFFFFFFE0 ss:$0x1] =	vst.idx.msk $0xffff, v58  }
.Ltmp4:
0x3a: {  	[tilespmem:v0+s22+$0xFFFFFFF0 ss:$0x1] =	vst.idx.msk $0xffff, v59;
	(pc) =	sbr.rel @p0 .LBB1_4-.Ltmp4, $4  }
0x3b: {  	[tilespmem:v0+s22+$0x0 ss:$0x1] =	vst.idx.msk $0xffff, v60  }
0x3c: {  	[tilespmem:v0+s22+$0x10 ss:$0x1] =	vst.idx.msk $0xffff, v61  }
0x3d: {  	[tilespmem:v0+s22+$0x20 ss:$0x1] =	vst.idx.msk $0xffff, v62  }
0x3e: {  	s18 =	sadd.s32 $0x400, s18;
	s17 =	sadd.s32 $0x80, s17;
	[tilespmem:v0+s22+$0xFFFFFFC0 ss:$0x1] =	vst.idx.msk $0xffff, v63  }
0x3f: {  	s16 =	sadd.s32 $0x1, s16  }
0x40: {  	p0 =	sne.s32 s16, $0x4  }
.Ltmp5:
0x41: {  	_ = 	snop;
	(pc) =	sbr.rel @p0 .LBB1_3-.Ltmp5, $2  }
0x42: {  	_ =	sdelay $0x2  }
0x43: {  	s13 =	sadd.s32 $0x1000, s13;
	s14 =	sadd.s32 $0x1000, s14  }
.Ltmp6:
0x44: {  	(pc) =	sbr.rel .LBB1_9-.Ltmp6, $4  }
0x45: {  	_ = 	snop  }
0x46: {  	s12 =	sshll.u32 s12, $0x9  }
0x47: {  	s12 =	sadd.s32 s4, s12  }
0x48: {  	[hbm4b:s12+s8] =	stream.linear.scatter [tilespmem:s15], [sflag:$0x2], $0x4000, $0x38;
	[tilespmem:$0x10000] =	vst v63  }
.LBB1_10:
0x49: {  	_ =	sfence.sel $0x180000  }
0x4a: {  	s2 =	simm.s32 $0x1;
	[bflag:$0x0] =	sbarrier.arrive $0xFFFF  }
0x4b: {  	s31 =	simm.s32 $0x2;
	[sflag:s2] =	ssyncpa.u1 $0x1  }
0x4c: {  	[sflag:s31] =	ssyncpa.u1 $0x1  }
0x4d: {  	p0 =	sne.s32 s0, $0x0;
	_ =	strace $0x9000004A  }
0x4e: {  	s0 =	sadd.s32 @!p0 $0x100000, s1;
	[bflag:$0x2] =	sbarrier.arrive $0xFFFF  }
0x4f: {  	[sflag:s0] =	ssyncadd.tile.s32 @!p0 $0x1;
	_ =	shalt  }
.Lfunc_end1:
_tile_overlayer_lowered:
.L_overlay_start_2:
0x50: {  	(tag) =	ssettag $0x2  }
0x51: {  	s0 =	rddreg [dreg:$0x0];
	s2 =	stileid.u32  }
0x52: {  	s1 =	rddreg [dreg:$0x1];
	p0 =	sne.s32 s2, $0x0  }
0x53: {  	s3 =	rddreg [dreg:$0x2];
	[bflag:$0x3] =	sbarrier.arrive $0xFFFF;
	s2 =	simm.s32 @!p0 $0x1C01  }
0x54: {  	[timem:s3], [sflag:s2] =	dma.local @!p0 [hbm:s0], s1  }
0x55: {  	s0 =	simm.s32 @!p0 $0x1  }
0x56: {  	_ =	swait.ge @!p0 [sflag:s0], s1  }
0x57: {  	s1 =	ssub.s32 @!p0 $0x0, s1;
	[sflag:s0] =	ssyncset.done @!p0 $0x0  }
0x58: {  	[sflag:s0] =	ssyncadd.s32 @!p0 s1  }
0x59: {  	[bflag:$0x3] =	sbarrier.arrive $0xFFFF  }
0x5a: {  	_ =	shalt  }

</sc_bundles>
